<compile_context>
chip_gen: v7x
topology: tpu7x:2x2x1
jax: 0.10.2.dev20260603
libtpu: 0.0.44.dev20260713+nightly
codegen_flags: <defaults>
</compile_context>

<pallas_src>
import functools

import numpy as np
import jax
import jax.numpy as jnp
from jax import lax
from jax.experimental import pallas as pl
from jax.experimental.pallas import tpu as pltpu
from jax.experimental.pallas import tpu_sc as plsc

_NC = 2
_NS = 16
_NW = _NC * _NS
_LANES = 16
_NBUF = 4


def _pos_encoding(dk: int, length: int) -> np.ndarray:
    i = np.arange(dk)
    even = (i % 2 == 0).astype(np.float64)
    power = 10000.0 ** (2.0 * i / dk)
    pos = np.arange(length)[:, None]
    ang = pos / power[None, :]
    return (np.sin(ang) * even + np.cos(ang) * (1.0 - even)).astype(np.float32)


@jax.jit
def kernel(tokens, table):
    B, L = tokens.shape
    V, D = table.shape
    assert B % _NW == 0 and D % _LANES == 0
    spw = B // _NW
    assert spw % _NBUF == 0
    nch = -(-L // 128)
    assert L % nch == 0
    ch = L // nch

    pos = jnp.asarray(_pos_encoding(D, L))
    tokens_c = tokens.astype(jnp.int32).reshape(_NW, spw, nch, ch)

    mesh = plsc.VectorSubcoreMesh(
        core_axis_name="c", subcore_axis_name="s",
        num_cores=_NC, num_subcores=_NS,
    )

    @functools.partial(
        pl.kernel,
        out_type=jax.ShapeDtypeStruct((B, L, D), jnp.float32),
        mesh=mesh,
        scratch_types=[
            pltpu.VMEM((spw, nch, ch), jnp.int32),
            pltpu.VMEM((_NBUF, L, D), jnp.float32),
            pltpu.VMEM((L, D), jnp.float32),
            [pltpu.SemaphoreType.DMA for _ in range(_NBUF)],
        ],
        compiler_params=pltpu.CompilerParams(use_tc_tiling_on_sc=False),
    )
    def emb_kernel(tokens_hbm, pos_hbm, table_hbm, out_hbm,
                   idx_all, rows, pos_v, sem_g):
        wid = lax.axis_index("s") * _NC + lax.axis_index("c")
        base = wid * spw
        pltpu.sync_copy(pos_hbm, pos_v)
        pltpu.sync_copy(tokens_hbm.at[wid], idx_all)

        def gather(j, b, issue):
            mk = pltpu.async_copy if issue else pltpu.make_async_copy
            return [
                mk(table_hbm.at[idx_all.at[j, h]],
                   rows.at[b, pl.ds(h * ch, ch)], sem_g[b])
                for h in range(nch)
            ]

        for k in range(_NBUF - 1):
            gather(k, k, True)

        @pl.loop(0, spw, step=_NBUF)
        def _outer(jo):
            for b in range(_NBUF):
                j = jo + b
                for d in gather(j, b, False):
                    d.wait()

                @pl.loop(0, L)
                def _row(r):
                    for c in range(D // _LANES):
                        sl = pl.ds(c * _LANES, _LANES)
                        rows[b, r, sl] = rows[b, r, sl] + pos_v[r, sl]

                bp = (b - 1) % _NBUF

                @pl.when(j + _NBUF - 1 < spw)
                def _():
                    gather(j + _NBUF - 1, bp, True)

                pltpu.sync_copy(rows.at[b], out_hbm.at[base + j])

    return emb_kernel(tokens_c, pos, table)

# --- scband reference (transcript-rebuilt; emitter-appended) ---
"""Pipeline reference for scband-transformer-15839839388306 (READ-ONLY COPY).

The authoritative reference and input builder live on the scoring server;
editing this copy changes nothing except your own understanding.
"""

import jax, jax.numpy as jnp
import numpy as np

DMODEL = 64
CONTEXT_LENGTH = 2048
VOCAB_SIZE = 1000000
BATCH = 1024
SEQ = 200

def positional_encodings(dk, context_length=2048):
    i = np.arange(dk)
    even_mask = (i % 2 == 0).astype(np.float64)
    power = 10000.0 ** (2.0 * i / dk)
    pos = np.arange(context_length)[:, None]
    angles = pos / power[None, :]
    enc = np.sin(angles) * even_mask + np.cos(angles) * (1.0 - even_mask)
    return jnp.asarray(enc, dtype=jnp.float32)

def setup_inputs(seed: int = 0) -> dict:
    key = jax.random.key(seed)
    k1, k2 = jax.random.split(key)
    tokens = jax.random.randint(k1, (BATCH, SEQ), 0, VOCAB_SIZE, dtype=jnp.int64) if jax.config.read('jax_enable_x64') else jax.random.randint(k1, (BATCH, SEQ), 0, VOCAB_SIZE, dtype=jnp.int32)
    table = jax.random.normal(k2, (VOCAB_SIZE, DMODEL), dtype=jnp.float32)
    return {"tokens": tokens, "table": table}

def reference(tokens, table):
    # Faithful translation of Transformer forward: embedding lookup + additive
    # sinusoidal positional encodings (precomputed, non-learned).
    pos = positional_encodings(DMODEL, CONTEXT_LENGTH)
    L = tokens.shape[1]
    emb = jnp.take(table, tokens, axis=0)  # gather: [B, L, dmodel]
    return emb + pos[:L][None, :, :]

if __name__ == "__main__":
    import jax
    _d = setup_inputs()
    print(jax.jit(kernel)(*tuple(_d.values())))

</pallas_src>

<mosaic_0001>
#map = affine_map<(d0, d1) -> (0, 0, 0, 0)>
#map1 = affine_map<(d0, d1) -> (0, 0)>
#map2 = affine_map<(d0, d1) -> (0, 0, 0)>
module attributes {stable_mosaic.version = 14 : i64} {
  func.func @emb_kernel(%arg0: i32, %arg1: i32, %arg2: memref<32x32x2x100xi32, #tpu.memory_space<hbm>>, %arg3: memref<200x64xf32, #tpu.memory_space<hbm>>, %arg4: memref<1000000x64xf32, #tpu.memory_space<hbm>>, %arg5: memref<1024x200x64xf32, #tpu.memory_space<hbm>>, %arg6: memref<32x2x100xi32, #tpu.memory_space<vmem>>, %arg7: memref<4x200x64xf32, #tpu.memory_space<vmem>>, %arg8: memref<200x64xf32, #tpu.memory_space<vmem>>, %arg9: memref<!tpu.dma_semaphore, #tpu.memory_space<semaphore_mem>>, %arg10: memref<!tpu.dma_semaphore, #tpu.memory_space<semaphore_mem>>, %arg11: memref<!tpu.dma_semaphore, #tpu.memory_space<semaphore_mem>>, %arg12: memref<!tpu.dma_semaphore, #tpu.memory_space<semaphore_mem>>) attributes {dimension_semantics = [#tpu.dimension_semantics<core_parallel>, #tpu.dimension_semantics<subcore_parallel>], iteration_bounds = array<i64: 2, 16>, scalar_prefetch = 0 : i64, scratch_operands = 7 : i64, tpu.core_type = #tpu.core_type<sc_vector_subcore>, window_params = [{transform_indices = #map}, {transform_indices = #map1}, {transform_indices = #map1}, {transform_indices = #map2}]} {
    %mul3A = arith.constant 2 : i32
    %mul3A_0 = arith.muli %arg1, %mul3A : i32
    %add3A = arith.addi %mul3A_0, %arg0 : i32
    %mul3A_1 = arith.constant 32 : i32
    %mul3A_2 = arith.muli %add3A, %mul3A_1 : i32
    "tpu.region"() ({
      %run_scoped3A = tpu.sem_alloc : memref<!tpu.dma_semaphore, #tpu.memory_space<semaphore_mem>>
      tpu.enqueue_dma source(%arg3 : memref<200x64xf32, #tpu.memory_space<hbm>>) target(%arg8 : memref<200x64xf32, #tpu.memory_space<vmem>>) target_semaphore(%run_scoped3A : memref<!tpu.dma_semaphore, #tpu.memory_space<semaphore_mem>>)
      tpu.wait_dma2 semaphore(%run_scoped3A : memref<!tpu.dma_semaphore, #tpu.memory_space<semaphore_mem>>) src(%arg3 : memref<200x64xf32, #tpu.memory_space<hbm>>) dst(%arg8 : memref<200x64xf32, #tpu.memory_space<vmem>>)
      tpu.yield
    }) : () -> ()
    "tpu.region"() ({
      %run_scoped3A = tpu.sem_alloc : memref<!tpu.dma_semaphore, #tpu.memory_space<semaphore_mem>>
      %dma_start3A_84 = arith.constant 0 : i32
      %dma_start3A_85 = arith.constant 0 : i32
      %dma_start3A_86 = arith.constant 0 : i32
      %dma_start3A_87 = tpu.memref_slice %arg2[%add3A, %dma_start3A_84, %dma_start3A_85, %dma_start3A_86] : memref<32x32x2x100xi32, #tpu.memory_space<hbm>> -> memref<1x32x2x100xi32, #tpu.memory_space<hbm>>
      %dma_start3A_88 = tpu.memref_squeeze %dma_start3A_87 : memref<1x32x2x100xi32, #tpu.memory_space<hbm>> -> memref<32x2x100xi32, #tpu.memory_space<hbm>>
      %dma_start3A_89 = arith.constant 0 : i32
      %dma_start3A_90 = arith.constant 0 : i32
      %dma_start3A_91 = arith.constant 0 : i32
      %dma_start3A_92 = tpu.memref_slice %arg2[%add3A, %dma_start3A_89, %dma_start3A_90, %dma_start3A_91] : memref<32x32x2x100xi32, #tpu.memory_space<hbm>> -> memref<1x32x2x100xi32, #tpu.memory_space<hbm>>
      %dma_start3A_93 = tpu.memref_squeeze %dma_start3A_92 : memref<1x32x2x100xi32, #tpu.memory_space<hbm>> -> memref<32x2x100xi32, #tpu.memory_space<hbm>>
      tpu.enqueue_dma source(%dma_start3A_93 : memref<32x2x100xi32, #tpu.memory_space<hbm>>) target(%arg6 : memref<32x2x100xi32, #tpu.memory_space<vmem>>) target_semaphore(%run_scoped3A : memref<!tpu.dma_semaphore, #tpu.memory_space<semaphore_mem>>)
      %dma_wait3A = arith.constant 0 : i32
      %dma_wait3A_94 = arith.constant 0 : i32
      %dma_wait3A_95 = arith.constant 0 : i32
      %dma_wait3A_96 = tpu.memref_slice %arg2[%add3A, %dma_wait3A, %dma_wait3A_94, %dma_wait3A_95] : memref<32x32x2x100xi32, #tpu.memory_space<hbm>> -> memref<1x32x2x100xi32, #tpu.memory_space<hbm>>
      %dma_wait3A_97 = tpu.memref_squeeze %dma_wait3A_96 : memref<1x32x2x100xi32, #tpu.memory_space<hbm>> -> memref<32x2x100xi32, #tpu.memory_space<hbm>>
      %dma_wait3A_98 = arith.constant 0 : i32
      %dma_wait3A_99 = arith.constant 0 : i32
      %dma_wait3A_100 = arith.constant 0 : i32
      %dma_wait3A_101 = tpu.memref_slice %arg2[%add3A, %dma_wait3A_98, %dma_wait3A_99, %dma_wait3A_100] : memref<32x32x2x100xi32, #tpu.memory_space<hbm>> -> memref<1x32x2x100xi32, #tpu.memory_space<hbm>>
      %dma_wait3A_102 = tpu.memref_squeeze %dma_wait3A_101 : memref<1x32x2x100xi32, #tpu.memory_space<hbm>> -> memref<32x2x100xi32, #tpu.memory_space<hbm>>
      tpu.wait_dma2 semaphore(%run_scoped3A : memref<!tpu.dma_semaphore, #tpu.memory_space<semaphore_mem>>) src(%dma_wait3A_102 : memref<32x2x100xi32, #tpu.memory_space<hbm>>) dst(%arg6 : memref<32x2x100xi32, #tpu.memory_space<vmem>>)
      tpu.yield
    }) : () -> ()
    %dma_start3A = arith.constant 0 : i32
    %dma_start3A_3 = arith.constant 0 : i32
    %dma_start3A_4 = arith.constant 0 : i32
    %dma_start3A_5 = arith.constant 0 : i32
    %dma_start3A_6 = arith.constant 0 : i32
    %dma_start3A_7 = tpu.memref_slice %arg7[%dma_start3A_4, %dma_start3A_5, %dma_start3A_6] : memref<4x200x64xf32, #tpu.memory_space<vmem>> -> memref<1x100x64xf32, #tpu.memory_space<vmem>>
    %dma_start3A_8 = tpu.memref_squeeze %dma_start3A_7 : memref<1x100x64xf32, #tpu.memory_space<vmem>> -> memref<100x64xf32, #tpu.memory_space<vmem>>
    %dma_start3A_9 = arith.constant 0 : i32
    %dma_start3A_10 = tpu.memref_slice %arg6[%dma_start3A, %dma_start3A_3, %dma_start3A_9] : memref<32x2x100xi32, #tpu.memory_space<vmem>> -> memref<1x1x100xi32, #tpu.memory_space<vmem>>
    %dma_start3A_11 = tpu.memref_squeeze %dma_start3A_10 : memref<1x1x100xi32, #tpu.memory_space<vmem>> -> memref<100xi32, #tpu.memory_space<vmem>>
    %dma_start3A_12 = arith.constant 0 : i32
    %dma_start3A_13 = arith.constant 0 : i32
    %dma_start3A_14 = tpu.memref_slice %arg4[%dma_start3A_12, %dma_start3A_13] : memref<1000000x64xf32, #tpu.memory_space<hbm>> -> memref<1000000x64xf32, #tpu.memory_space<hbm>>
    tpu.enqueue_indirect_dma source(%dma_start3A_14 : memref<1000000x64xf32, #tpu.memory_space<hbm>>) target(%dma_start3A_8 : memref<100x64xf32, #tpu.memory_space<vmem>>) offsets(%dma_start3A_11 : memref<100xi32, #tpu.memory_space<vmem>>) semaphore(%arg9 : memref<!tpu.dma_semaphore, #tpu.memory_space<semaphore_mem>>)
    %dma_start3A_15 = arith.constant 0 : i32
    %dma_start3A_16 = arith.constant 1 : i32
    %dma_start3A_17 = arith.constant 0 : i32
    %dma_start3A_18 = arith.constant 100 : i32
    %dma_start3A_19 = arith.constant 0 : i32
    %dma_start3A_20 = tpu.memref_slice %arg7[%dma_start3A_17, %dma_start3A_18, %dma_start3A_19] : memref<4x200x64xf32, #tpu.memory_space<vmem>> -> memref<1x100x64xf32, #tpu.memory_space<vmem>>
    %dma_start3A_21 = tpu.memref_squeeze %dma_start3A_20 : memref<1x100x64xf32, #tpu.memory_space<vmem>> -> memref<100x64xf32, #tpu.memory_space<vmem>>
    %dma_start3A_22 = arith.constant 0 : i32
    %dma_start3A_23 = tpu.memref_slice %arg6[%dma_start3A_15, %dma_start3A_16, %dma_start3A_22] : memref<32x2x100xi32, #tpu.memory_space<vmem>> -> memref<1x1x100xi32, #tpu.memory_space<vmem>>
    %dma_start3A_24 = tpu.memref_squeeze %dma_start3A_23 : memref<1x1x100xi32, #tpu.memory_space<vmem>> -> memref<100xi32, #tpu.memory_space<vmem>>
    %dma_start3A_25 = arith.constant 0 : i32
    %dma_start3A_26 = arith.constant 0 : i32
    %dma_start3A_27 = tpu.memref_slice %arg4[%dma_start3A_25, %dma_start3A_26] : memref<1000000x64xf32, #tpu.memory_space<hbm>> -> memref<1000000x64xf32, #tpu.memory_space<hbm>>
    tpu.enqueue_indirect_dma source(%dma_start3A_27 : memref<1000000x64xf32, #tpu.memory_space<hbm>>) target(%dma_start3A_21 : memref<100x64xf32, #tpu.memory_space<vmem>>) offsets(%dma_start3A_24 : memref<100xi32, #tpu.memory_space<vmem>>) semaphore(%arg9 : memref<!tpu.dma_semaphore, #tpu.memory_space<semaphore_mem>>)
    %dma_start3A_28 = arith.constant 1 : i32
    %dma_start3A_29 = arith.constant 0 : i32
    %dma_start3A_30 = arith.constant 1 : i32
    %dma_start3A_31 = arith.constant 0 : i32
    %dma_start3A_32 = arith.constant 0 : i32
    %dma_start3A_33 = tpu.memref_slice %arg7[%dma_start3A_30, %dma_start3A_31, %dma_start3A_32] : memref<4x200x64xf32, #tpu.memory_space<vmem>> -> memref<1x100x64xf32, #tpu.memory_space<vmem>>
    %dma_start3A_34 = tpu.memref_squeeze %dma_start3A_33 : memref<1x100x64xf32, #tpu.memory_space<vmem>> -> memref<100x64xf32, #tpu.memory_space<vmem>>
    %dma_start3A_35 = arith.constant 0 : i32
    %dma_start3A_36 = tpu.memref_slice %arg6[%dma_start3A_28, %dma_start3A_29, %dma_start3A_35] : memref<32x2x100xi32, #tpu.memory_space<vmem>> -> memref<1x1x100xi32, #tpu.memory_space<vmem>>
    %dma_start3A_37 = tpu.memref_squeeze %dma_start3A_36 : memref<1x1x100xi32, #tpu.memory_space<vmem>> -> memref<100xi32, #tpu.memory_space<vmem>>
    %dma_start3A_38 = arith.constant 0 : i32
    %dma_start3A_39 = arith.constant 0 : i32
    %dma_start3A_40 = tpu.memref_slice %arg4[%dma_start3A_38, %dma_start3A_39] : memref<1000000x64xf32, #tpu.memory_space<hbm>> -> memref<1000000x64xf32, #tpu.memory_space<hbm>>
    tpu.enqueue_indirect_dma source(%dma_start3A_40 : memref<1000000x64xf32, #tpu.memory_space<hbm>>) target(%dma_start3A_34 : memref<100x64xf32, #tpu.memory_space<vmem>>) offsets(%dma_start3A_37 : memref<100xi32, #tpu.memory_space<vmem>>) semaphore(%arg10 : memref<!tpu.dma_semaphore, #tpu.memory_space<semaphore_mem>>)
    %dma_start3A_41 = arith.constant 1 : i32
    %dma_start3A_42 = arith.constant 1 : i32
    %dma_start3A_43 = arith.constant 1 : i32
    %dma_start3A_44 = arith.constant 100 : i32
    %dma_start3A_45 = arith.constant 0 : i32
    %dma_start3A_46 = tpu.memref_slice %arg7[%dma_start3A_43, %dma_start3A_44, %dma_start3A_45] : memref<4x200x64xf32, #tpu.memory_space<vmem>> -> memref<1x100x64xf32, #tpu.memory_space<vmem>>
    %dma_start3A_47 = tpu.memref_squeeze %dma_start3A_46 : memref<1x100x64xf32, #tpu.memory_space<vmem>> -> memref<100x64xf32, #tpu.memory_space<vmem>>
    %dma_start3A_48 = arith.constant 0 : i32
    %dma_start3A_49 = tpu.memref_slice %arg6[%dma_start3A_41, %dma_start3A_42, %dma_start3A_48] : memref<32x2x100xi32, #tpu.memory_space<vmem>> -> memref<1x1x100xi32, #tpu.memory_space<vmem>>
    %dma_start3A_50 = tpu.memref_squeeze %dma_start3A_49 : memref<1x1x100xi32, #tpu.memory_space<vmem>> -> memref<100xi32, #tpu.memory_space<vmem>>
    %dma_start3A_51 = arith.constant 0 : i32
    %dma_start3A_52 = arith.constant 0 : i32
    %dma_start3A_53 = tpu.memref_slice %arg4[%dma_start3A_51, %dma_start3A_52] : memref<1000000x64xf32, #tpu.memory_space<hbm>> -> memref<1000000x64xf32, #tpu.memory_space<hbm>>
    tpu.enqueue_indirect_dma source(%dma_start3A_53 : memref<1000000x64xf32, #tpu.memory_space<hbm>>) target(%dma_start3A_47 : memref<100x64xf32, #tpu.memory_space<vmem>>) offsets(%dma_start3A_50 : memref<100xi32, #tpu.memory_space<vmem>>) semaphore(%arg10 : memref<!tpu.dma_semaphore, #tpu.memory_space<semaphore_mem>>)
    %dma_start3A_54 = arith.constant 2 : i32
    %dma_start3A_55 = arith.constant 0 : i32
    %dma_start3A_56 = arith.constant 2 : i32
    %dma_start3A_57 = arith.constant 0 : i32
    %dma_start3A_58 = arith.constant 0 : i32
    %dma_start3A_59 = tpu.memref_slice %arg7[%dma_start3A_56, %dma_start3A_57, %dma_start3A_58] : memref<4x200x64xf32, #tpu.memory_space<vmem>> -> memref<1x100x64xf32, #tpu.memory_space<vmem>>
    %dma_start3A_60 = tpu.memref_squeeze %dma_start3A_59 : memref<1x100x64xf32, #tpu.memory_space<vmem>> -> memref<100x64xf32, #tpu.memory_space<vmem>>
    %dma_start3A_61 = arith.constant 0 : i32
    %dma_start3A_62 = tpu.memref_slice %arg6[%dma_start3A_54, %dma_start3A_55, %dma_start3A_61] : memref<32x2x100xi32, #tpu.memory_space<vmem>> -> memref<1x1x100xi32, #tpu.memory_space<vmem>>
    %dma_start3A_63 = tpu.memref_squeeze %dma_start3A_62 : memref<1x1x100xi32, #tpu.memory_space<vmem>> -> memref<100xi32, #tpu.memory_space<vmem>>
    %dma_start3A_64 = arith.constant 0 : i32
    %dma_start3A_65 = arith.constant 0 : i32
    %dma_start3A_66 = tpu.memref_slice %arg4[%dma_start3A_64, %dma_start3A_65] : memref<1000000x64xf32, #tpu.memory_space<hbm>> -> memref<1000000x64xf32, #tpu.memory_space<hbm>>
    tpu.enqueue_indirect_dma source(%dma_start3A_66 : memref<1000000x64xf32, #tpu.memory_space<hbm>>) target(%dma_start3A_60 : memref<100x64xf32, #tpu.memory_space<vmem>>) offsets(%dma_start3A_63 : memref<100xi32, #tpu.memory_space<vmem>>) semaphore(%arg11 : memref<!tpu.dma_semaphore, #tpu.memory_space<semaphore_mem>>)
    %dma_start3A_67 = arith.constant 2 : i32
    %dma_start3A_68 = arith.constant 1 : i32
    %dma_start3A_69 = arith.constant 2 : i32
    %dma_start3A_70 = arith.constant 100 : i32
    %dma_start3A_71 = arith.constant 0 : i32
    %dma_start3A_72 = tpu.memref_slice %arg7[%dma_start3A_69, %dma_start3A_70, %dma_start3A_71] : memref<4x200x64xf32, #tpu.memory_space<vmem>> -> memref<1x100x64xf32, #tpu.memory_space<vmem>>
    %dma_start3A_73 = tpu.memref_squeeze %dma_start3A_72 : memref<1x100x64xf32, #tpu.memory_space<vmem>> -> memref<100x64xf32, #tpu.memory_space<vmem>>
    %dma_start3A_74 = arith.constant 0 : i32
    %dma_start3A_75 = tpu.memref_slice %arg6[%dma_start3A_67, %dma_start3A_68, %dma_start3A_74] : memref<32x2x100xi32, #tpu.memory_space<vmem>> -> memref<1x1x100xi32, #tpu.memory_space<vmem>>
    %dma_start3A_76 = tpu.memref_squeeze %dma_start3A_75 : memref<1x1x100xi32, #tpu.memory_space<vmem>> -> memref<100xi32, #tpu.memory_space<vmem>>
    %dma_start3A_77 = arith.constant 0 : i32
    %dma_start3A_78 = arith.constant 0 : i32
    %dma_start3A_79 = tpu.memref_slice %arg4[%dma_start3A_77, %dma_start3A_78] : memref<1000000x64xf32, #tpu.memory_space<hbm>> -> memref<1000000x64xf32, #tpu.memory_space<hbm>>
    tpu.enqueue_indirect_dma source(%dma_start3A_79 : memref<1000000x64xf32, #tpu.memory_space<hbm>>) target(%dma_start3A_73 : memref<100x64xf32, #tpu.memory_space<vmem>>) offsets(%dma_start3A_76 : memref<100xi32, #tpu.memory_space<vmem>>) semaphore(%arg11 : memref<!tpu.dma_semaphore, #tpu.memory_space<semaphore_mem>>)
    %scan3A = arith.constant 0 : i32
    %scan3A_80 = arith.constant 8 : i32
    %scan3A_81 = arith.addi %scan3A, %scan3A_80 : i32
    %scan3A_82 = arith.constant 1 : i32
    scf.for %scan3A_84 = %scan3A to %scan3A_81 step %scan3A_82  : i32 {
      %mul3A_85 = arith.constant 4 : i32
      %mul3A_86 = arith.muli %scan3A_84, %mul3A_85 : i32
      %add3A_87 = arith.constant 0 : i32
      %add3A_88 = arith.addi %add3A_87, %mul3A_86 : i32
      %add3A_89 = arith.constant 0 : i32
      %add3A_90 = arith.addi %add3A_88, %add3A_89 : i32
      %dma_wait3A = arith.constant 0 : i32
      %dma_wait3A_91 = arith.constant 0 : i32
      %dma_wait3A_92 = arith.constant 0 : i32
      %dma_wait3A_93 = arith.constant 0 : i32
      %dma_wait3A_94 = tpu.memref_slice %arg7[%dma_wait3A_91, %dma_wait3A_92, %dma_wait3A_93] : memref<4x200x64xf32, #tpu.memory_space<vmem>> -> memref<1x100x64xf32, #tpu.memory_space<vmem>>
      %dma_wait3A_95 = tpu.memref_squeeze %dma_wait3A_94 : memref<1x100x64xf32, #tpu.memory_space<vmem>> -> memref<100x64xf32, #tpu.memory_space<vmem>>
      %dma_wait3A_96 = arith.constant 0 : i32
      %dma_wait3A_97 = tpu.memref_slice %arg6[%add3A_90, %dma_wait3A, %dma_wait3A_96] : memref<32x2x100xi32, #tpu.memory_space<vmem>> -> memref<1x1x100xi32, #tpu.memory_space<vmem>>
      %dma_wait3A_98 = tpu.memref_squeeze %dma_wait3A_97 : memref<1x1x100xi32, #tpu.memory_space<vmem>> -> memref<100xi32, #tpu.memory_space<vmem>>
      %dma_wait3A_99 = arith.constant 0 : i32
      %dma_wait3A_100 = arith.constant 0 : i32
      %dma_wait3A_101 = tpu.memref_slice %arg4[%dma_wait3A_99, %dma_wait3A_100] : memref<1000000x64xf32, #tpu.memory_space<hbm>> -> memref<1000000x64xf32, #tpu.memory_space<hbm>>
      tpu.wait_indirect_dma semaphore(%arg9 : memref<!tpu.dma_semaphore, #tpu.memory_space<semaphore_mem>>) src(%dma_wait3A_101 : memref<1000000x64xf32, #tpu.memory_space<hbm>>) dst(%dma_wait3A_95 : memref<100x64xf32, #tpu.memory_space<vmem>>)
      %dma_wait3A_102 = arith.constant 1 : i32
      %dma_wait3A_103 = arith.constant 0 : i32
      %dma_wait3A_104 = arith.constant 100 : i32
      %dma_wait3A_105 = arith.constant 0 : i32
      %dma_wait3A_106 = tpu.memref_slice %arg7[%dma_wait3A_103, %dma_wait3A_104, %dma_wait3A_105] : memref<4x200x64xf32, #tpu.memory_space<vmem>> -> memref<1x100x64xf32, #tpu.memory_space<vmem>>
      %dma_wait3A_107 = tpu.memref_squeeze %dma_wait3A_106 : memref<1x100x64xf32, #tpu.memory_space<vmem>> -> memref<100x64xf32, #tpu.memory_space<vmem>>
      %dma_wait3A_108 = arith.constant 0 : i32
      %dma_wait3A_109 = tpu.memref_slice %arg6[%add3A_90, %dma_wait3A_102, %dma_wait3A_108] : memref<32x2x100xi32, #tpu.memory_space<vmem>> -> memref<1x1x100xi32, #tpu.memory_space<vmem>>
      %dma_wait3A_110 = tpu.memref_squeeze %dma_wait3A_109 : memref<1x1x100xi32, #tpu.memory_space<vmem>> -> memref<100xi32, #tpu.memory_space<vmem>>
      %dma_wait3A_111 = arith.constant 0 : i32
      %dma_wait3A_112 = arith.constant 0 : i32
      %dma_wait3A_113 = tpu.memref_slice %arg4[%dma_wait3A_111, %dma_wait3A_112] : memref<1000000x64xf32, #tpu.memory_space<hbm>> -> memref<1000000x64xf32, #tpu.memory_space<hbm>>
      tpu.wait_indirect_dma semaphore(%arg9 : memref<!tpu.dma_semaphore, #tpu.memory_space<semaphore_mem>>) src(%dma_wait3A_113 : memref<1000000x64xf32, #tpu.memory_space<hbm>>) dst(%dma_wait3A_107 : memref<100x64xf32, #tpu.memory_space<vmem>>)
      %scan3A_114 = arith.constant 0 : i32
      %scan3A_115 = arith.constant 200 : i32
      %scan3A_116 = arith.addi %scan3A_114, %scan3A_115 : i32
      %scan3A_117 = arith.constant 1 : i32
      scf.for %scan3A_251 = %scan3A_114 to %scan3A_116 step %scan3A_117  : i32 {
        %mul3A_252 = arith.constant 1 : i32
        %mul3A_253 = arith.muli %scan3A_251, %mul3A_252 : i32
        %add3A_254 = arith.constant 0 : i32
        %add3A_255 = arith.addi %add3A_254, %mul3A_253 : i32
        %get3A = arith.constant 0 : i32
        %get3A_256 = arith.index_cast %get3A : i32 to index
        %get3A_257 = arith.index_cast %add3A_255 : i32 to index
        %get3A_258 = arith.constant 0 : index
        %get3A_259 = tpu.vector_load %arg7[%get3A_256, %get3A_257, %get3A_258] {strides = array<i32>} : memref<4x200x64xf32, #tpu.memory_space<vmem>>, vector<1x1x16xf32>,
        %get3A_260 = vector.shape_cast %get3A_259 : vector<1x1x16xf32> to vector<16xf32>
        %get3A_261 = arith.index_cast %add3A_255 : i32 to index
        %get3A_262 = arith.constant 0 : index
        %get3A_263 = tpu.vector_load %arg8[%get3A_261, %get3A_262] {strides = array<i32>} : memref<200x64xf32, #tpu.memory_space<vmem>>, vector<1x16xf32>,
        %get3A_264 = vector.shape_cast %get3A_263 : vector<1x16xf32> to vector<16xf32>
        %add3A_265 = arith.addf %get3A_260, %get3A_264 : vector<16xf32>
        %swap3A = arith.constant 0 : i32
        %swap3A_266 = arith.index_cast %swap3A : i32 to index
        %swap3A_267 = arith.index_cast %add3A_255 : i32 to index
        %swap3A_268 = arith.constant 0 : index
        %swap3A_269 = tpu.vector_load %arg7[%swap3A_266, %swap3A_267, %swap3A_268] {strides = array<i32>} : memref<4x200x64xf32, #tpu.memory_space<vmem>>, vector<1x1x16xf32>,
        %swap3A_270 = vector.shape_cast %swap3A_269 : vector<1x1x16xf32> to vector<16xf32>
        %swap3A_271 = vector.shape_cast %add3A_265 : vector<16xf32> to vector<1x1x16xf32>
        tpu.vector_store %arg7[%swap3A_266, %swap3A_267, %swap3A_268], %swap3A_271 {strides = array<i32>} : memref<4x200x64xf32, #tpu.memory_space<vmem>>, vector<1x1x16xf32>,
        %get3A_272 = arith.constant 0 : i32
        %get3A_273 = arith.index_cast %get3A_272 : i32 to index
        %get3A_274 = arith.index_cast %add3A_255 : i32 to index
        %get3A_275 = arith.constant 16 : index
        %get3A_276 = tpu.vector_load %arg7[%get3A_273, %get3A_274, %get3A_275] {strides = array<i32>} : memref<4x200x64xf32, #tpu.memory_space<vmem>>, vector<1x1x16xf32>,
        %get3A_277 = vector.shape_cast %get3A_276 : vector<1x1x16xf32> to vector<16xf32>
        %get3A_278 = arith.index_cast %add3A_255 : i32 to index
        %get3A_279 = arith.constant 16 : index
        %get3A_280 = tpu.vector_load %arg8[%get3A_278, %get3A_279] {strides = array<i32>} : memref<200x64xf32, #tpu.memory_space<vmem>>, vector<1x16xf32>,
        %get3A_281 = vector.shape_cast %get3A_280 : vector<1x16xf32> to vector<16xf32>
        %add3A_282 = arith.addf %get3A_277, %get3A_281 : vector<16xf32>
        %swap3A_283 = arith.constant 0 : i32
        %swap3A_284 = arith.index_cast %swap3A_283 : i32 to index
        %swap3A_285 = arith.index_cast %add3A_255 : i32 to index
        %swap3A_286 = arith.constant 16 : index
        %swap3A_287 = tpu.vector_load %arg7[%swap3A_284, %swap3A_285, %swap3A_286] {strides = array<i32>} : memref<4x200x64xf32, #tpu.memory_space<vmem>>, vector<1x1x16xf32>,
        %swap3A_288 = vector.shape_cast %swap3A_287 : vector<1x1x16xf32> to vector<16xf32>
        %swap3A_289 = vector.shape_cast %add3A_282 : vector<16xf32> to vector<1x1x16xf32>
        tpu.vector_store %arg7[%swap3A_284, %swap3A_285, %swap3A_286], %swap3A_289 {strides = array<i32>} : memref<4x200x64xf32, #tpu.memory_space<vmem>>, vector<1x1x16xf32>,
        %get3A_290 = arith.constant 0 : i32
        %get3A_291 = arith.index_cast %get3A_290 : i32 to index
        %get3A_292 = arith.index_cast %add3A_255 : i32 to index
        %get3A_293 = arith.constant 32 : index
        %get3A_294 = tpu.vector_load %arg7[%get3A_291, %get3A_292, %get3A_293] {strides = array<i32>} : memref<4x200x64xf32, #tpu.memory_space<vmem>>, vector<1x1x16xf32>,
        %get3A_295 = vector.shape_cast %get3A_294 : vector<1x1x16xf32> to vector<16xf32>
        %get3A_296 = arith.index_cast %add3A_255 : i32 to index
        %get3A_297 = arith.constant 32 : index
        %get3A_298 = tpu.vector_load %arg8[%get3A_296, %get3A_297] {strides = array<i32>} : memref<200x64xf32, #tpu.memory_space<vmem>>, vector<1x16xf32>,
        %get3A_299 = vector.shape_cast %get3A_298 : vector<1x16xf32> to vector<16xf32>
        %add3A_300 = arith.addf %get3A_295, %get3A_299 : vector<16xf32>
        %swap3A_301 = arith.constant 0 : i32
        %swap3A_302 = arith.index_cast %swap3A_301 : i32 to index
        %swap3A_303 = arith.index_cast %add3A_255 : i32 to index
        %swap3A_304 = arith.constant 32 : index
        %swap3A_305 = tpu.vector_load %arg7[%swap3A_302, %swap3A_303, %swap3A_304] {strides = array<i32>} : memref<4x200x64xf32, #tpu.memory_space<vmem>>, vector<1x1x16xf32>,
        %swap3A_306 = vector.shape_cast %swap3A_305 : vector<1x1x16xf32> to vector<16xf32>
        %swap3A_307 = vector.shape_cast %add3A_300 : vector<16xf32> to vector<1x1x16xf32>
        tpu.vector_store %arg7[%swap3A_302, %swap3A_303, %swap3A_304], %swap3A_307 {strides = array<i32>} : memref<4x200x64xf32, #tpu.memory_space<vmem>>, vector<1x1x16xf32>,
        %get3A_308 = arith.constant 0 : i32
        %get3A_309 = arith.index_cast %get3A_308 : i32 to index
        %get3A_310 = arith.index_cast %add3A_255 : i32 to index
        %get3A_311 = arith.constant 48 : index
        %get3A_312 = tpu.vector_load %arg7[%get3A_309, %get3A_310, %get3A_311] {strides = array<i32>} : memref<4x200x64xf32, #tpu.memory_space<vmem>>, vector<1x1x16xf32>,
        %get3A_313 = vector.shape_cast %get3A_312 : vector<1x1x16xf32> to vector<16xf32>
        %get3A_314 = arith.index_cast %add3A_255 : i32 to index
        %get3A_315 = arith.constant 48 : index
        %get3A_316 = tpu.vector_load %arg8[%get3A_314, %get3A_315] {strides = array<i32>} : memref<200x64xf32, #tpu.memory_space<vmem>>, vector<1x16xf32>,
        %get3A_317 = vector.shape_cast %get3A_316 : vector<1x16xf32> to vector<16xf32>
        %add3A_318 = arith.addf %get3A_313, %get3A_317 : vector<16xf32>
        %swap3A_319 = arith.constant 0 : i32
        %swap3A_320 = arith.index_cast %swap3A_319 : i32 to index
        %swap3A_321 = arith.index_cast %add3A_255 : i32 to index
        %swap3A_322 = arith.constant 48 : index
        %swap3A_323 = tpu.vector_load %arg7[%swap3A_320, %swap3A_321, %swap3A_322] {strides = array<i32>} : memref<4x200x64xf32, #tpu.memory_space<vmem>>, vector<1x1x16xf32>,
        %swap3A_324 = vector.shape_cast %swap3A_323 : vector<1x1x16xf32> to vector<16xf32>
        %swap3A_325 = vector.shape_cast %add3A_318 : vector<16xf32> to vector<1x1x16xf32>
        tpu.vector_store %arg7[%swap3A_320, %swap3A_321, %swap3A_322], %swap3A_325 {strides = array<i32>} : memref<4x200x64xf32, #tpu.memory_space<vmem>>, vector<1x1x16xf32>,
      }
      %scan3A_118 = arith.constant 200 : i32
      %add3A_119 = arith.constant 4 : i32
      %add3A_120 = arith.addi %add3A_90, %add3A_119 : i32
      %sub3A = arith.constant 1 : i32
      %sub3A_121 = arith.subi %add3A_120, %sub3A : i32
      %lt3A = arith.constant 32 : i32
      %lt3A_122 = arith.cmpi slt, %sub3A_121, %lt3A : i32
      %convert_element_type3A = arith.extui %lt3A_122 : i1 to i32
      %cond3A = arith.constant 0 : i32
      %cond3A_123 = arith.cmpi ne, %convert_element_type3A, %cond3A : i32
      scf.if %cond3A_123 {
        %add3A_251 = arith.constant 4 : i32
        %add3A_252 = arith.addi %add3A_90, %add3A_251 : i32
        %sub3A_253 = arith.constant 1 : i32
        %sub3A_254 = arith.subi %add3A_252, %sub3A_253 : i32
        %dma_start3A_255 = arith.constant 0 : i32
        %dma_start3A_256 = arith.constant 3 : i32
        %dma_start3A_257 = arith.constant 0 : i32
        %dma_start3A_258 = arith.constant 0 : i32
        %dma_start3A_259 = tpu.memref_slice %arg7[%dma_start3A_256, %dma_start3A_257, %dma_start3A_258] : memref<4x200x64xf32, #tpu.memory_space<vmem>> -> memref<1x100x64xf32, #tpu.memory_space<vmem>>
        %dma_start3A_260 = tpu.memref_squeeze %dma_start3A_259 : memref<1x100x64xf32, #tpu.memory_space<vmem>> -> memref<100x64xf32, #tpu.memory_space<vmem>>
        %dma_start3A_261 = arith.constant 0 : i32
        %dma_start3A_262 = tpu.memref_slice %arg6[%sub3A_254, %dma_start3A_255, %dma_start3A_261] : memref<32x2x100xi32, #tpu.memory_space<vmem>> -> memref<1x1x100xi32, #tpu.memory_space<vmem>>
        %dma_start3A_263 = tpu.memref_squeeze %dma_start3A_262 : memref<1x1x100xi32, #tpu.memory_space<vmem>> -> memref<100xi32, #tpu.memory_space<vmem>>
        %dma_start3A_264 = arith.constant 0 : i32
        %dma_start3A_265 = arith.constant 0 : i32
        %dma_start3A_266 = tpu.memref_slice %arg4[%dma_start3A_264, %dma_start3A_265] : memref<1000000x64xf32, #tpu.memory_space<hbm>> -> memref<1000000x64xf32, #tpu.memory_space<hbm>>
        tpu.enqueue_indirect_dma source(%dma_start3A_266 : memref<1000000x64xf32, #tpu.memory_space<hbm>>) target(%dma_start3A_260 : memref<100x64xf32, #tpu.memory_space<vmem>>) offsets(%dma_start3A_263 : memref<100xi32, #tpu.memory_space<vmem>>) semaphore(%arg12 : memref<!tpu.dma_semaphore, #tpu.memory_space<semaphore_mem>>)
        %dma_start3A_267 = arith.constant 1 : i32
        %dma_start3A_268 = arith.constant 3 : i32
        %dma_start3A_269 = arith.constant 100 : i32
        %dma_start3A_270 = arith.constant 0 : i32
        %dma_start3A_271 = tpu.memref_slice %arg7[%dma_start3A_268, %dma_start3A_269, %dma_start3A_270] : memref<4x200x64xf32, #tpu.memory_space<vmem>> -> memref<1x100x64xf32, #tpu.memory_space<vmem>>
        %dma_start3A_272 = tpu.memref_squeeze %dma_start3A_271 : memref<1x100x64xf32, #tpu.memory_space<vmem>> -> memref<100x64xf32, #tpu.memory_space<vmem>>
        %dma_start3A_273 = arith.constant 0 : i32
        %dma_start3A_274 = tpu.memref_slice %arg6[%sub3A_254, %dma_start3A_267, %dma_start3A_273] : memref<32x2x100xi32, #tpu.memory_space<vmem>> -> memref<1x1x100xi32, #tpu.memory_space<vmem>>
        %dma_start3A_275 = tpu.memref_squeeze %dma_start3A_274 : memref<1x1x100xi32, #tpu.memory_space<vmem>> -> memref<100xi32, #tpu.memory_space<vmem>>
        %dma_start3A_276 = arith.constant 0 : i32
        %dma_start3A_277 = arith.constant 0 : i32
        %dma_start3A_278 = tpu.memref_slice %arg4[%dma_start3A_276, %dma_start3A_277] : memref<1000000x64xf32, #tpu.memory_space<hbm>> -> memref<1000000x64xf32, #tpu.memory_space<hbm>>
        tpu.enqueue_indirect_dma source(%dma_start3A_278 : memref<1000000x64xf32, #tpu.memory_space<hbm>>) target(%dma_start3A_272 : memref<100x64xf32, #tpu.memory_space<vmem>>) offsets(%dma_start3A_275 : memref<100xi32, #tpu.memory_space<vmem>>) semaphore(%arg12 : memref<!tpu.dma_semaphore, #tpu.memory_space<semaphore_mem>>)
      } else {
      }
      %add3A_124 = arith.addi %mul3A_2, %add3A_90 : i32
      %run_scoped3A = arith.constant 0 : i32
      "tpu.region"() ({
        %run_scoped3A_251 = tpu.sem_alloc : memref<!tpu.dma_semaphore, #tpu.memory_space<semaphore_mem>>
        %dma_start3A_252 = arith.constant 0 : i32
        %dma_start3A_253 = arith.constant 0 : i32
        %dma_start3A_254 = tpu.memref_slice %arg7[%run_scoped3A, %dma_start3A_252, %dma_start3A_253] : memref<4x200x64xf32, #tpu.memory_space<vmem>> -> memref<1x200x64xf32, #tpu.memory_space<vmem>>
        %dma_start3A_255 = tpu.memref_squeeze %dma_start3A_254 : memref<1x200x64xf32, #tpu.memory_space<vmem>> -> memref<200x64xf32, #tpu.memory_space<vmem>>
        %dma_start3A_256 = arith.constant 0 : i32
        %dma_start3A_257 = arith.constant 0 : i32
        %dma_start3A_258 = tpu.memref_slice %arg5[%add3A_124, %dma_start3A_256, %dma_start3A_257] : memref<1024x200x64xf32, #tpu.memory_space<hbm>> -> memref<1x200x64xf32, #tpu.memory_space<hbm>>
        %dma_start3A_259 = tpu.memref_squeeze %dma_start3A_258 : memref<1x200x64xf32, #tpu.memory_space<hbm>> -> memref<200x64xf32, #tpu.memory_space<hbm>>
        %dma_start3A_260 = arith.constant 0 : i32
        %dma_start3A_261 = arith.constant 0 : i32
        %dma_start3A_262 = tpu.memref_slice %arg5[%add3A_124, %dma_start3A_260, %dma_start3A_261] : memref<1024x200x64xf32, #tpu.memory_space<hbm>> -> memref<1x200x64xf32, #tpu.memory_space<hbm>>
        %dma_start3A_263 = tpu.memref_squeeze %dma_start3A_262 : memref<1x200x64xf32, #tpu.memory_space<hbm>> -> memref<200x64xf32, #tpu.memory_space<hbm>>
        %dma_start3A_264 = arith.constant 0 : i32
        %dma_start3A_265 = arith.constant 0 : i32
        %dma_start3A_266 = tpu.memref_slice %arg7[%run_scoped3A, %dma_start3A_264, %dma_start3A_265] : memref<4x200x64xf32, #tpu.memory_space<vmem>> -> memref<1x200x64xf32, #tpu.memory_space<vmem>>
        %dma_start3A_267 = tpu.memref_squeeze %dma_start3A_266 : memref<1x200x64xf32, #tpu.memory_space<vmem>> -> memref<200x64xf32, #tpu.memory_space<vmem>>
        tpu.enqueue_dma source(%dma_start3A_267 : memref<200x64xf32, #tpu.memory_space<vmem>>) target(%dma_start3A_263 : memref<200x64xf32, #tpu.memory_space<hbm>>) target_semaphore(%run_scoped3A_251 : memref<!tpu.dma_semaphore, #tpu.memory_space<semaphore_mem>>)
        %dma_wait3A_268 = arith.constant 0 : i32
        %dma_wait3A_269 = arith.constant 0 : i32
        %dma_wait3A_270 = tpu.memref_slice %arg7[%run_scoped3A, %dma_wait3A_268, %dma_wait3A_269] : memref<4x200x64xf32, #tpu.memory_space<vmem>> -> memref<1x200x64xf32, #tpu.memory_space<vmem>>
        %dma_wait3A_271 = tpu.memref_squeeze %dma_wait3A_270 : memref<1x200x64xf32, #tpu.memory_space<vmem>> -> memref<200x64xf32, #tpu.memory_space<vmem>>
        %dma_wait3A_272 = arith.constant 0 : i32
        %dma_wait3A_273 = arith.constant 0 : i32
        %dma_wait3A_274 = tpu.memref_slice %arg5[%add3A_124, %dma_wait3A_272, %dma_wait3A_273] : memref<1024x200x64xf32, #tpu.memory_space<hbm>> -> memref<1x200x64xf32, #tpu.memory_space<hbm>>
        %dma_wait3A_275 = tpu.memref_squeeze %dma_wait3A_274 : memref<1x200x64xf32, #tpu.memory_space<hbm>> -> memref<200x64xf32, #tpu.memory_space<hbm>>
        %dma_wait3A_276 = arith.constant 0 : i32
        %dma_wait3A_277 = arith.constant 0 : i32
        %dma_wait3A_278 = tpu.memref_slice %arg5[%add3A_124, %dma_wait3A_276, %dma_wait3A_277] : memref<1024x200x64xf32, #tpu.memory_space<hbm>> -> memref<1x200x64xf32, #tpu.memory_space<hbm>>
        %dma_wait3A_279 = tpu.memref_squeeze %dma_wait3A_278 : memref<1x200x64xf32, #tpu.memory_space<hbm>> -> memref<200x64xf32, #tpu.memory_space<hbm>>
        %dma_wait3A_280 = arith.constant 0 : i32
        %dma_wait3A_281 = arith.constant 0 : i32
        %dma_wait3A_282 = tpu.memref_slice %arg7[%run_scoped3A, %dma_wait3A_280, %dma_wait3A_281] : memref<4x200x64xf32, #tpu.memory_space<vmem>> -> memref<1x200x64xf32, #tpu.memory_space<vmem>>
        %dma_wait3A_283 = tpu.memref_squeeze %dma_wait3A_282 : memref<1x200x64xf32, #tpu.memory_space<vmem>> -> memref<200x64xf32, #tpu.memory_space<vmem>>
        tpu.wait_dma2 semaphore(%run_scoped3A_251 : memref<!tpu.dma_semaphore, #tpu.memory_space<semaphore_mem>>) src(%dma_wait3A_283 : memref<200x64xf32, #tpu.memory_space<vmem>>) dst(%dma_wait3A_279 : memref<200x64xf32, #tpu.memory_space<hbm>>)
        tpu.yield
      }) : () -> ()
      %add3A_125 = arith.constant 1 : i32
      %add3A_126 = arith.addi %add3A_88, %add3A_125 : i32
      %dma_wait3A_127 = arith.constant 0 : i32
      %dma_wait3A_128 = arith.constant 1 : i32
      %dma_wait3A_129 = arith.constant 0 : i32
      %dma_wait3A_130 = arith.constant 0 : i32
      %dma_wait3A_131 = tpu.memref_slice %arg7[%dma_wait3A_128, %dma_wait3A_129, %dma_wait3A_130] : memref<4x200x64xf32, #tpu.memory_space<vmem>> -> memref<1x100x64xf32, #tpu.memory_space<vmem>>
      %dma_wait3A_132 = tpu.memref_squeeze %dma_wait3A_131 : memref<1x100x64xf32, #tpu.memory_space<vmem>> -> memref<100x64xf32, #tpu.memory_space<vmem>>
      %dma_wait3A_133 = arith.constant 0 : i32
      %dma_wait3A_134 = tpu.memref_slice %arg6[%add3A_126, %dma_wait3A_127, %dma_wait3A_133] : memref<32x2x100xi32, #tpu.memory_space<vmem>> -> memref<1x1x100xi32, #tpu.memory_space<vmem>>
      %dma_wait3A_135 = tpu.memref_squeeze %dma_wait3A_134 : memref<1x1x100xi32, #tpu.memory_space<vmem>> -> memref<100xi32, #tpu.memory_space<vmem>>
      %dma_wait3A_136 = arith.constant 0 : i32
      %dma_wait3A_137 = arith.constant 0 : i32
      %dma_wait3A_138 = tpu.memref_slice %arg4[%dma_wait3A_136, %dma_wait3A_137] : memref<1000000x64xf32, #tpu.memory_space<hbm>> -> memref<1000000x64xf32, #tpu.memory_space<hbm>>
      tpu.wait_indirect_dma semaphore(%arg10 : memref<!tpu.dma_semaphore, #tpu.memory_space<semaphore_mem>>) src(%dma_wait3A_138 : memref<1000000x64xf32, #tpu.memory_space<hbm>>) dst(%dma_wait3A_132 : memref<100x64xf32, #tpu.memory_space<vmem>>)
      %dma_wait3A_139 = arith.constant 1 : i32
      %dma_wait3A_140 = arith.constant 1 : i32
      %dma_wait3A_141 = arith.constant 100 : i32
      %dma_wait3A_142 = arith.constant 0 : i32
      %dma_wait3A_143 = tpu.memref_slice %arg7[%dma_wait3A_140, %dma_wait3A_141, %dma_wait3A_142] : memref<4x200x64xf32, #tpu.memory_space<vmem>> -> memref<1x100x64xf32, #tpu.memory_space<vmem>>
      %dma_wait3A_144 = tpu.memref_squeeze %dma_wait3A_143 : memref<1x100x64xf32, #tpu.memory_space<vmem>> -> memref<100x64xf32, #tpu.memory_space<vmem>>
      %dma_wait3A_145 = arith.constant 0 : i32
      %dma_wait3A_146 = tpu.memref_slice %arg6[%add3A_126, %dma_wait3A_139, %dma_wait3A_145] : memref<32x2x100xi32, #tpu.memory_space<vmem>> -> memref<1x1x100xi32, #tpu.memory_space<vmem>>
      %dma_wait3A_147 = tpu.memref_squeeze %dma_wait3A_146 : memref<1x1x100xi32, #tpu.memory_space<vmem>> -> memref<100xi32, #tpu.memory_space<vmem>>
      %dma_wait3A_148 = arith.constant 0 : i32
      %dma_wait3A_149 = arith.constant 0 : i32
      %dma_wait3A_150 = tpu.memref_slice %arg4[%dma_wait3A_148, %dma_wait3A_149] : memref<1000000x64xf32, #tpu.memory_space<hbm>> -> memref<1000000x64xf32, #tpu.memory_space<hbm>>
      tpu.wait_indirect_dma semaphore(%arg10 : memref<!tpu.dma_semaphore, #tpu.memory_space<semaphore_mem>>) src(%dma_wait3A_150 : memref<1000000x64xf32, #tpu.memory_space<hbm>>) dst(%dma_wait3A_144 : memref<100x64xf32, #tpu.memory_space<vmem>>)
      %scan3A_151 = arith.constant 0 : i32
      %scan3A_152 = arith.constant 200 : i32
      %scan3A_153 = arith.addi %scan3A_151, %scan3A_152 : i32
      %scan3A_154 = arith.constant 1 : i32
      scf.for %scan3A_251 = %scan3A_151 to %scan3A_153 step %scan3A_154  : i32 {
        %mul3A_252 = arith.constant 1 : i32
        %mul3A_253 = arith.muli %scan3A_251, %mul3A_252 : i32
        %add3A_254 = arith.constant 0 : i32
        %add3A_255 = arith.addi %add3A_254, %mul3A_253 : i32
        %get3A = arith.constant 1 : i32
        %get3A_256 = arith.index_cast %get3A : i32 to index
        %get3A_257 = arith.index_cast %add3A_255 : i32 to index
        %get3A_258 = arith.constant 0 : index
        %get3A_259 = tpu.vector_load %arg7[%get3A_256, %get3A_257, %get3A_258] {strides = array<i32>} : memref<4x200x64xf32, #tpu.memory_space<vmem>>, vector<1x1x16xf32>,
        %get3A_260 = vector.shape_cast %get3A_259 : vector<1x1x16xf32> to vector<16xf32>
        %get3A_261 = arith.index_cast %add3A_255 : i32 to index
        %get3A_262 = arith.constant 0 : index
        %get3A_263 = tpu.vector_load %arg8[%get3A_261, %get3A_262] {strides = array<i32>} : memref<200x64xf32, #tpu.memory_space<vmem>>, vector<1x16xf32>,
        %get3A_264 = vector.shape_cast %get3A_263 : vector<1x16xf32> to vector<16xf32>
        %add3A_265 = arith.addf %get3A_260, %get3A_264 : vector<16xf32>
        %swap3A = arith.constant 1 : i32
        %swap3A_266 = arith.index_cast %swap3A : i32 to index
        %swap3A_267 = arith.index_cast %add3A_255 : i32 to index
        %swap3A_268 = arith.constant 0 : index
        %swap3A_269 = tpu.vector_load %arg7[%swap3A_266, %swap3A_267, %swap3A_268] {strides = array<i32>} : memref<4x200x64xf32, #tpu.memory_space<vmem>>, vector<1x1x16xf32>,
        %swap3A_270 = vector.shape_cast %swap3A_269 : vector<1x1x16xf32> to vector<16xf32>
        %swap3A_271 = vector.shape_cast %add3A_265 : vector<16xf32> to vector<1x1x16xf32>
        tpu.vector_store %arg7[%swap3A_266, %swap3A_267, %swap3A_268], %swap3A_271 {strides = array<i32>} : memref<4x200x64xf32, #tpu.memory_space<vmem>>, vector<1x1x16xf32>,
        %get3A_272 = arith.constant 1 : i32
        %get3A_273 = arith.index_cast %get3A_272 : i32 to index
        %get3A_274 = arith.index_cast %add3A_255 : i32 to index
        %get3A_275 = arith.constant 16 : index
        %get3A_276 = tpu.vector_load %arg7[%get3A_273, %get3A_274, %get3A_275] {strides = array<i32>} : memref<4x200x64xf32, #tpu.memory_space<vmem>>, vector<1x1x16xf32>,
        %get3A_277 = vector.shape_cast %get3A_276 : vector<1x1x16xf32> to vector<16xf32>
        %get3A_278 = arith.index_cast %add3A_255 : i32 to index
        %get3A_279 = arith.constant 16 : index
        %get3A_280 = tpu.vector_load %arg8[%get3A_278, %get3A_279] {strides = array<i32>} : memref<200x64xf32, #tpu.memory_space<vmem>>, vector<1x16xf32>,
        %get3A_281 = vector.shape_cast %get3A_280 : vector<1x16xf32> to vector<16xf32>
        %add3A_282 = arith.addf %get3A_277, %get3A_281 : vector<16xf32>
        %swap3A_283 = arith.constant 1 : i32
        %swap3A_284 = arith.index_cast %swap3A_283 : i32 to index
        %swap3A_285 = arith.index_cast %add3A_255 : i32 to index
        %swap3A_286 = arith.constant 16 : index
        %swap3A_287 = tpu.vector_load %arg7[%swap3A_284, %swap3A_285, %swap3A_286] {strides = array<i32>} : memref<4x200x64xf32, #tpu.memory_space<vmem>>, vector<1x1x16xf32>,
        %swap3A_288 = vector.shape_cast %swap3A_287 : vector<1x1x16xf32> to vector<16xf32>
        %swap3A_289 = vector.shape_cast %add3A_282 : vector<16xf32> to vector<1x1x16xf32>
        tpu.vector_store %arg7[%swap3A_284, %swap3A_285, %swap3A_286], %swap3A_289 {strides = array<i32>} : memref<4x200x64xf32, #tpu.memory_space<vmem>>, vector<1x1x16xf32>,
        %get3A_290 = arith.constant 1 : i32
        %get3A_291 = arith.index_cast %get3A_290 : i32 to index
        %get3A_292 = arith.index_cast %add3A_255 : i32 to index
        %get3A_293 = arith.constant 32 : index
        %get3A_294 = tpu.vector_load %arg7[%get3A_291, %get3A_292, %get3A_293] {strides = array<i32>} : memref<4x200x64xf32, #tpu.memory_space<vmem>>, vector<1x1x16xf32>,
        %get3A_295 = vector.shape_cast %get3A_294 : vector<1x1x16xf32> to vector<16xf32>
        %get3A_296 = arith.index_cast %add3A_255 : i32 to index
        %get3A_297 = arith.constant 32 : index
        %get3A_298 = tpu.vector_load %arg8[%get3A_296, %get3A_297] {strides = array<i32>} : memref<200x64xf32, #tpu.memory_space<vmem>>, vector<1x16xf32>,
        %get3A_299 = vector.shape_cast %get3A_298 : vector<1x16xf32> to vector<16xf32>
        %add3A_300 = arith.addf %get3A_295, %get3A_299 : vector<16xf32>
        %swap3A_301 = arith.constant 1 : i32
        %swap3A_302 = arith.index_cast %swap3A_301 : i32 to index
        %swap3A_303 = arith.index_cast %add3A_255 : i32 to index
        %swap3A_304 = arith.constant 32 : index
        %swap3A_305 = tpu.vector_load %arg7[%swap3A_302, %swap3A_303, %swap3A_304] {strides = array<i32>} : memref<4x200x64xf32, #tpu.memory_space<vmem>>, vector<1x1x16xf32>,
        %swap3A_306 = vector.shape_cast %swap3A_305 : vector<1x1x16xf32> to vector<16xf32>
        %swap3A_307 = vector.shape_cast %add3A_300 : vector<16xf32> to vector<1x1x16xf32>
        tpu.vector_store %arg7[%swap3A_302, %swap3A_303, %swap3A_304], %swap3A_307 {strides = array<i32>} : memref<4x200x64xf32, #tpu.memory_space<vmem>>, vector<1x1x16xf32>,
        %get3A_308 = arith.constant 1 : i32
        %get3A_309 = arith.index_cast %get3A_308 : i32 to index
        %get3A_310 = arith.index_cast %add3A_255 : i32 to index
        %get3A_311 = arith.constant 48 : index
        %get3A_312 = tpu.vector_load %arg7[%get3A_309, %get3A_310, %get3A_311] {strides = array<i32>} : memref<4x200x64xf32, #tpu.memory_space<vmem>>, vector<1x1x16xf32>,
        %get3A_313 = vector.shape_cast %get3A_312 : vector<1x1x16xf32> to vector<16xf32>
        %get3A_314 = arith.index_cast %add3A_255 : i32 to index
        %get3A_315 = arith.constant 48 : index
        %get3A_316 = tpu.vector_load %arg8[%get3A_314, %get3A_315] {strides = array<i32>} : memref<200x64xf32, #tpu.memory_space<vmem>>, vector<1x16xf32>,
        %get3A_317 = vector.shape_cast %get3A_316 : vector<1x16xf32> to vector<16xf32>
        %add3A_318 = arith.addf %get3A_313, %get3A_317 : vector<16xf32>
        %swap3A_319 = arith.constant 1 : i32
        %swap3A_320 = arith.index_cast %swap3A_319 : i32 to index
        %swap3A_321 = arith.index_cast %add3A_255 : i32 to index
        %swap3A_322 = arith.constant 48 : index
        %swap3A_323 = tpu.vector_load %arg7[%swap3A_320, %swap3A_321, %swap3A_322] {strides = array<i32>} : memref<4x200x64xf32, #tpu.memory_space<vmem>>, vector<1x1x16xf32>,
        %swap3A_324 = vector.shape_cast %swap3A_323 : vector<1x1x16xf32> to vector<16xf32>
        %swap3A_325 = vector.shape_cast %add3A_318 : vector<16xf32> to vector<1x1x16xf32>
        tpu.vector_store %arg7[%swap3A_320, %swap3A_321, %swap3A_322], %swap3A_325 {strides = array<i32>} : memref<4x200x64xf32, #tpu.memory_space<vmem>>, vector<1x1x16xf32>,
      }
      %scan3A_155 = arith.constant 200 : i32
      %add3A_156 = arith.constant 4 : i32
      %add3A_157 = arith.addi %add3A_126, %add3A_156 : i32
      %sub3A_158 = arith.constant 1 : i32
      %sub3A_159 = arith.subi %add3A_157, %sub3A_158 : i32
      %lt3A_160 = arith.constant 32 : i32
      %lt3A_161 = arith.cmpi slt, %sub3A_159, %lt3A_160 : i32
      %convert_element_type3A_162 = arith.extui %lt3A_161 : i1 to i32
      %cond3A_163 = arith.constant 0 : i32
      %cond3A_164 = arith.cmpi ne, %convert_element_type3A_162, %cond3A_163 : i32
      scf.if %cond3A_164 {
        %add3A_251 = arith.constant 4 : i32
        %add3A_252 = arith.addi %add3A_126, %add3A_251 : i32
        %sub3A_253 = arith.constant 1 : i32
        %sub3A_254 = arith.subi %add3A_252, %sub3A_253 : i32
        %dma_start3A_255 = arith.constant 0 : i32
        %dma_start3A_256 = arith.constant 0 : i32
        %dma_start3A_257 = arith.constant 0 : i32
        %dma_start3A_258 = arith.constant 0 : i32
        %dma_start3A_259 = tpu.memref_slice %arg7[%dma_start3A_256, %dma_start3A_257, %dma_start3A_258] : memref<4x200x64xf32, #tpu.memory_space<vmem>> -> memref<1x100x64xf32, #tpu.memory_space<vmem>>
        %dma_start3A_260 = tpu.memref_squeeze %dma_start3A_259 : memref<1x100x64xf32, #tpu.memory_space<vmem>> -> memref<100x64xf32, #tpu.memory_space<vmem>>
        %dma_start3A_261 = arith.constant 0 : i32
        %dma_start3A_262 = tpu.memref_slice %arg6[%sub3A_254, %dma_start3A_255, %dma_start3A_261] : memref<32x2x100xi32, #tpu.memory_space<vmem>> -> memref<1x1x100xi32, #tpu.memory_space<vmem>>
        %dma_start3A_263 = tpu.memref_squeeze %dma_start3A_262 : memref<1x1x100xi32, #tpu.memory_space<vmem>> -> memref<100xi32, #tpu.memory_space<vmem>>
        %dma_start3A_264 = arith.constant 0 : i32
        %dma_start3A_265 = arith.constant 0 : i32
        %dma_start3A_266 = tpu.memref_slice %arg4[%dma_start3A_264, %dma_start3A_265] : memref<1000000x64xf32, #tpu.memory_space<hbm>> -> memref<1000000x64xf32, #tpu.memory_space<hbm>>
        tpu.enqueue_indirect_dma source(%dma_start3A_266 : memref<1000000x64xf32, #tpu.memory_space<hbm>>) target(%dma_start3A_260 : memref<100x64xf32, #tpu.memory_space<vmem>>) offsets(%dma_start3A_263 : memref<100xi32, #tpu.memory_space<vmem>>) semaphore(%arg9 : memref<!tpu.dma_semaphore, #tpu.memory_space<semaphore_mem>>)
        %dma_start3A_267 = arith.constant 1 : i32
        %dma_start3A_268 = arith.constant 0 : i32
        %dma_start3A_269 = arith.constant 100 : i32
        %dma_start3A_270 = arith.constant 0 : i32
        %dma_start3A_271 = tpu.memref_slice %arg7[%dma_start3A_268, %dma_start3A_269, %dma_start3A_270] : memref<4x200x64xf32, #tpu.memory_space<vmem>> -> memref<1x100x64xf32, #tpu.memory_space<vmem>>
        %dma_start3A_272 = tpu.memref_squeeze %dma_start3A_271 : memref<1x100x64xf32, #tpu.memory_space<vmem>> -> memref<100x64xf32, #tpu.memory_space<vmem>>
        %dma_start3A_273 = arith.constant 0 : i32
        %dma_start3A_274 = tpu.memref_slice %arg6[%sub3A_254, %dma_start3A_267, %dma_start3A_273] : memref<32x2x100xi32, #tpu.memory_space<vmem>> -> memref<1x1x100xi32, #tpu.memory_space<vmem>>
        %dma_start3A_275 = tpu.memref_squeeze %dma_start3A_274 : memref<1x1x100xi32, #tpu.memory_space<vmem>> -> memref<100xi32, #tpu.memory_space<vmem>>
        %dma_start3A_276 = arith.constant 0 : i32
        %dma_start3A_277 = arith.constant 0 : i32
        %dma_start3A_278 = tpu.memref_slice %arg4[%dma_start3A_276, %dma_start3A_277] : memref<1000000x64xf32, #tpu.memory_space<hbm>> -> memref<1000000x64xf32, #tpu.memory_space<hbm>>
        tpu.enqueue_indirect_dma source(%dma_start3A_278 : memref<1000000x64xf32, #tpu.memory_space<hbm>>) target(%dma_start3A_272 : memref<100x64xf32, #tpu.memory_space<vmem>>) offsets(%dma_start3A_275 : memref<100xi32, #tpu.memory_space<vmem>>) semaphore(%arg9 : memref<!tpu.dma_semaphore, #tpu.memory_space<semaphore_mem>>)
      } else {
      }
      %add3A_165 = arith.addi %mul3A_2, %add3A_126 : i32
      %run_scoped3A_166 = arith.constant 1 : i32
      "tpu.region"() ({
        %run_scoped3A_251 = tpu.sem_alloc : memref<!tpu.dma_semaphore, #tpu.memory_space<semaphore_mem>>
        %dma_start3A_252 = arith.constant 0 : i32
        %dma_start3A_253 = arith.constant 0 : i32
        %dma_start3A_254 = tpu.memref_slice %arg7[%run_scoped3A_166, %dma_start3A_252, %dma_start3A_253] : memref<4x200x64xf32, #tpu.memory_space<vmem>> -> memref<1x200x64xf32, #tpu.memory_space<vmem>>
        %dma_start3A_255 = tpu.memref_squeeze %dma_start3A_254 : memref<1x200x64xf32, #tpu.memory_space<vmem>> -> memref<200x64xf32, #tpu.memory_space<vmem>>
        %dma_start3A_256 = arith.constant 0 : i32
        %dma_start3A_257 = arith.constant 0 : i32
        %dma_start3A_258 = tpu.memref_slice %arg5[%add3A_165, %dma_start3A_256, %dma_start3A_257] : memref<1024x200x64xf32, #tpu.memory_space<hbm>> -> memref<1x200x64xf32, #tpu.memory_space<hbm>>
        %dma_start3A_259 = tpu.memref_squeeze %dma_start3A_258 : memref<1x200x64xf32, #tpu.memory_space<hbm>> -> memref<200x64xf32, #tpu.memory_space<hbm>>
        %dma_start3A_260 = arith.constant 0 : i32
        %dma_start3A_261 = arith.constant 0 : i32
        %dma_start3A_262 = tpu.memref_slice %arg5[%add3A_165, %dma_start3A_260, %dma_start3A_261] : memref<1024x200x64xf32, #tpu.memory_space<hbm>> -> memref<1x200x64xf32, #tpu.memory_space<hbm>>
        %dma_start3A_263 = tpu.memref_squeeze %dma_start3A_262 : memref<1x200x64xf32, #tpu.memory_space<hbm>> -> memref<200x64xf32, #tpu.memory_space<hbm>>
        %dma_start3A_264 = arith.constant 0 : i32
        %dma_start3A_265 = arith.constant 0 : i32
        %dma_start3A_266 = tpu.memref_slice %arg7[%run_scoped3A_166, %dma_start3A_264, %dma_start3A_265] : memref<4x200x64xf32, #tpu.memory_space<vmem>> -> memref<1x200x64xf32, #tpu.memory_space<vmem>>
        %dma_start3A_267 = tpu.memref_squeeze %dma_start3A_266 : memref<1x200x64xf32, #tpu.memory_space<vmem>> -> memref<200x64xf32, #tpu.memory_space<vmem>>
        tpu.enqueue_dma source(%dma_start3A_267 : memref<200x64xf32, #tpu.memory_space<vmem>>) target(%dma_start3A_263 : memref<200x64xf32, #tpu.memory_space<hbm>>) target_semaphore(%run_scoped3A_251 : memref<!tpu.dma_semaphore, #tpu.memory_space<semaphore_mem>>)
        %dma_wait3A_268 = arith.constant 0 : i32
        %dma_wait3A_269 = arith.constant 0 : i32
        %dma_wait3A_270 = tpu.memref_slice %arg7[%run_scoped3A_166, %dma_wait3A_268, %dma_wait3A_269] : memref<4x200x64xf32, #tpu.memory_space<vmem>> -> memref<1x200x64xf32, #tpu.memory_space<vmem>>
        %dma_wait3A_271 = tpu.memref_squeeze %dma_wait3A_270 : memref<1x200x64xf32, #tpu.memory_space<vmem>> -> memref<200x64xf32, #tpu.memory_space<vmem>>
        %dma_wait3A_272 = arith.constant 0 : i32
        %dma_wait3A_273 = arith.constant 0 : i32
        %dma_wait3A_274 = tpu.memref_slice %arg5[%add3A_165, %dma_wait3A_272, %dma_wait3A_273] : memref<1024x200x64xf32, #tpu.memory_space<hbm>> -> memref<1x200x64xf32, #tpu.memory_space<hbm>>
        %dma_wait3A_275 = tpu.memref_squeeze %dma_wait3A_274 : memref<1x200x64xf32, #tpu.memory_space<hbm>> -> memref<200x64xf32, #tpu.memory_space<hbm>>
        %dma_wait3A_276 = arith.constant 0 : i32
        %dma_wait3A_277 = arith.constant 0 : i32
        %dma_wait3A_278 = tpu.memref_slice %arg5[%add3A_165, %dma_wait3A_276, %dma_wait3A_277] : memref<1024x200x64xf32, #tpu.memory_space<hbm>> -> memref<1x200x64xf32, #tpu.memory_space<hbm>>
        %dma_wait3A_279 = tpu.memref_squeeze %dma_wait3A_278 : memref<1x200x64xf32, #tpu.memory_space<hbm>> -> memref<200x64xf32, #tpu.memory_space<hbm>>
        %dma_wait3A_280 = arith.constant 0 : i32
        %dma_wait3A_281 = arith.constant 0 : i32
        %dma_wait3A_282 = tpu.memref_slice %arg7[%run_scoped3A_166, %dma_wait3A_280, %dma_wait3A_281] : memref<4x200x64xf32, #tpu.memory_space<vmem>> -> memref<1x200x64xf32, #tpu.memory_space<vmem>>
        %dma_wait3A_283 = tpu.memref_squeeze %dma_wait3A_282 : memref<1x200x64xf32, #tpu.memory_space<vmem>> -> memref<200x64xf32, #tpu.memory_space<vmem>>
        tpu.wait_dma2 semaphore(%run_scoped3A_251 : memref<!tpu.dma_semaphore, #tpu.memory_space<semaphore_mem>>) src(%dma_wait3A_283 : memref<200x64xf32, #tpu.memory_space<vmem>>) dst(%dma_wait3A_279 : memref<200x64xf32, #tpu.memory_space<hbm>>)
        tpu.yield
      }) : () -> ()
      %add3A_167 = arith.constant 2 : i32
      %add3A_168 = arith.addi %add3A_88, %add3A_167 : i32
      %dma_wait3A_169 = arith.constant 0 : i32
      %dma_wait3A_170 = arith.constant 2 : i32
      %dma_wait3A_171 = arith.constant 0 : i32
      %dma_wait3A_172 = arith.constant 0 : i32
      %dma_wait3A_173 = tpu.memref_slice %arg7[%dma_wait3A_170, %dma_wait3A_171, %dma_wait3A_172] : memref<4x200x64xf32, #tpu.memory_space<vmem>> -> memref<1x100x64xf32, #tpu.memory_space<vmem>>
      %dma_wait3A_174 = tpu.memref_squeeze %dma_wait3A_173 : memref<1x100x64xf32, #tpu.memory_space<vmem>> -> memref<100x64xf32, #tpu.memory_space<vmem>>
      %dma_wait3A_175 = arith.constant 0 : i32
      %dma_wait3A_176 = tpu.memref_slice %arg6[%add3A_168, %dma_wait3A_169, %dma_wait3A_175] : memref<32x2x100xi32, #tpu.memory_space<vmem>> -> memref<1x1x100xi32, #tpu.memory_space<vmem>>
      %dma_wait3A_177 = tpu.memref_squeeze %dma_wait3A_176 : memref<1x1x100xi32, #tpu.memory_space<vmem>> -> memref<100xi32, #tpu.memory_space<vmem>>
      %dma_wait3A_178 = arith.constant 0 : i32
      %dma_wait3A_179 = arith.constant 0 : i32
      %dma_wait3A_180 = tpu.memref_slice %arg4[%dma_wait3A_178, %dma_wait3A_179] : memref<1000000x64xf32, #tpu.memory_space<hbm>> -> memref<1000000x64xf32, #tpu.memory_space<hbm>>
      tpu.wait_indirect_dma semaphore(%arg11 : memref<!tpu.dma_semaphore, #tpu.memory_space<semaphore_mem>>) src(%dma_wait3A_180 : memref<1000000x64xf32, #tpu.memory_space<hbm>>) dst(%dma_wait3A_174 : memref<100x64xf32, #tpu.memory_space<vmem>>)
      %dma_wait3A_181 = arith.constant 1 : i32
      %dma_wait3A_182 = arith.constant 2 : i32
      %dma_wait3A_183 = arith.constant 100 : i32
      %dma_wait3A_184 = arith.constant 0 : i32
      %dma_wait3A_185 = tpu.memref_slice %arg7[%dma_wait3A_182, %dma_wait3A_183, %dma_wait3A_184] : memref<4x200x64xf32, #tpu.memory_space<vmem>> -> memref<1x100x64xf32, #tpu.memory_space<vmem>>
      %dma_wait3A_186 = tpu.memref_squeeze %dma_wait3A_185 : memref<1x100x64xf32, #tpu.memory_space<vmem>> -> memref<100x64xf32, #tpu.memory_space<vmem>>
      %dma_wait3A_187 = arith.constant 0 : i32
      %dma_wait3A_188 = tpu.memref_slice %arg6[%add3A_168, %dma_wait3A_181, %dma_wait3A_187] : memref<32x2x100xi32, #tpu.memory_space<vmem>> -> memref<1x1x100xi32, #tpu.memory_space<vmem>>
      %dma_wait3A_189 = tpu.memref_squeeze %dma_wait3A_188 : memref<1x1x100xi32, #tpu.memory_space<vmem>> -> memref<100xi32, #tpu.memory_space<vmem>>
      %dma_wait3A_190 = arith.constant 0 : i32
      %dma_wait3A_191 = arith.constant 0 : i32
      %dma_wait3A_192 = tpu.memref_slice %arg4[%dma_wait3A_190, %dma_wait3A_191] : memref<1000000x64xf32, #tpu.memory_space<hbm>> -> memref<1000000x64xf32, #tpu.memory_space<hbm>>
      tpu.wait_indirect_dma semaphore(%arg11 : memref<!tpu.dma_semaphore, #tpu.memory_space<semaphore_mem>>) src(%dma_wait3A_192 : memref<1000000x64xf32, #tpu.memory_space<hbm>>) dst(%dma_wait3A_186 : memref<100x64xf32, #tpu.memory_space<vmem>>)
      %scan3A_193 = arith.constant 0 : i32
      %scan3A_194 = arith.constant 200 : i32
      %scan3A_195 = arith.addi %scan3A_193, %scan3A_194 : i32
      %scan3A_196 = arith.constant 1 : i32
      scf.for %scan3A_251 = %scan3A_193 to %scan3A_195 step %scan3A_196  : i32 {
        %mul3A_252 = arith.constant 1 : i32
        %mul3A_253 = arith.muli %scan3A_251, %mul3A_252 : i32
        %add3A_254 = arith.constant 0 : i32
        %add3A_255 = arith.addi %add3A_254, %mul3A_253 : i32
        %get3A = arith.constant 2 : i32
        %get3A_256 = arith.index_cast %get3A : i32 to index
        %get3A_257 = arith.index_cast %add3A_255 : i32 to index
        %get3A_258 = arith.constant 0 : index
        %get3A_259 = tpu.vector_load %arg7[%get3A_256, %get3A_257, %get3A_258] {strides = array<i32>} : memref<4x200x64xf32, #tpu.memory_space<vmem>>, vector<1x1x16xf32>,
        %get3A_260 = vector.shape_cast %get3A_259 : vector<1x1x16xf32> to vector<16xf32>
        %get3A_261 = arith.index_cast %add3A_255 : i32 to index
        %get3A_262 = arith.constant 0 : index
        %get3A_263 = tpu.vector_load %arg8[%get3A_261, %get3A_262] {strides = array<i32>} : memref<200x64xf32, #tpu.memory_space<vmem>>, vector<1x16xf32>,
        %get3A_264 = vector.shape_cast %get3A_263 : vector<1x16xf32> to vector<16xf32>
        %add3A_265 = arith.addf %get3A_260, %get3A_264 : vector<16xf32>
        %swap3A = arith.constant 2 : i32
        %swap3A_266 = arith.index_cast %swap3A : i32 to index
        %swap3A_267 = arith.index_cast %add3A_255 : i32 to index
        %swap3A_268 = arith.constant 0 : index
        %swap3A_269 = tpu.vector_load %arg7[%swap3A_266, %swap3A_267, %swap3A_268] {strides = array<i32>} : memref<4x200x64xf32, #tpu.memory_space<vmem>>, vector<1x1x16xf32>,
        %swap3A_270 = vector.shape_cast %swap3A_269 : vector<1x1x16xf32> to vector<16xf32>
        %swap3A_271 = vector.shape_cast %add3A_265 : vector<16xf32> to vector<1x1x16xf32>
        tpu.vector_store %arg7[%swap3A_266, %swap3A_267, %swap3A_268], %swap3A_271 {strides = array<i32>} : memref<4x200x64xf32, #tpu.memory_space<vmem>>, vector<1x1x16xf32>,
        %get3A_272 = arith.constant 2 : i32
        %get3A_273 = arith.index_cast %get3A_272 : i32 to index
        %get3A_274 = arith.index_cast %add3A_255 : i32 to index
        %get3A_275 = arith.constant 16 : index
        %get3A_276 = tpu.vector_load %arg7[%get3A_273, %get3A_274, %get3A_275] {strides = array<i32>} : memref<4x200x64xf32, #tpu.memory_space<vmem>>, vector<1x1x16xf32>,
        %get3A_277 = vector.shape_cast %get3A_276 : vector<1x1x16xf32> to vector<16xf32>
        %get3A_278 = arith.index_cast %add3A_255 : i32 to index
        %get3A_279 = arith.constant 16 : index
        %get3A_280 = tpu.vector_load %arg8[%get3A_278, %get3A_279] {strides = array<i32>} : memref<200x64xf32, #tpu.memory_space<vmem>>, vector<1x16xf32>,
        %get3A_281 = vector.shape_cast %get3A_280 : vector<1x16xf32> to vector<16xf32>
        %add3A_282 = arith.addf %get3A_277, %get3A_281 : vector<16xf32>
        %swap3A_283 = arith.constant 2 : i32
        %swap3A_284 = arith.index_cast %swap3A_283 : i32 to index
        %swap3A_285 = arith.index_cast %add3A_255 : i32 to index
        %swap3A_286 = arith.constant 16 : index
        %swap3A_287 = tpu.vector_load %arg7[%swap3A_284, %swap3A_285, %swap3A_286] {strides = array<i32>} : memref<4x200x64xf32, #tpu.memory_space<vmem>>, vector<1x1x16xf32>,
        %swap3A_288 = vector.shape_cast %swap3A_287 : vector<1x1x16xf32> to vector<16xf32>
        %swap3A_289 = vector.shape_cast %add3A_282 : vector<16xf32> to vector<1x1x16xf32>
        tpu.vector_store %arg7[%swap3A_284, %swap3A_285, %swap3A_286], %swap3A_289 {strides = array<i32>} : memref<4x200x64xf32, #tpu.memory_space<vmem>>, vector<1x1x16xf32>,
        %get3A_290 = arith.constant 2 : i32
        %get3A_291 = arith.index_cast %get3A_290 : i32 to index
        %get3A_292 = arith.index_cast %add3A_255 : i32 to index
        %get3A_293 = arith.constant 32 : index
        %get3A_294 = tpu.vector_load %arg7[%get3A_291, %get3A_292, %get3A_293] {strides = array<i32>} : memref<4x200x64xf32, #tpu.memory_space<vmem>>, vector<1x1x16xf32>,
        %get3A_295 = vector.shape_cast %get3A_294 : vector<1x1x16xf32> to vector<16xf32>
        %get3A_296 = arith.index_cast %add3A_255 : i32 to index
        %get3A_297 = arith.constant 32 : index
        %get3A_298 = tpu.vector_load %arg8[%get3A_296, %get3A_297] {strides = array<i32>} : memref<200x64xf32, #tpu.memory_space<vmem>>, vector<1x16xf32>,
        %get3A_299 = vector.shape_cast %get3A_298 : vector<1x16xf32> to vector<16xf32>
        %add3A_300 = arith.addf %get3A_295, %get3A_299 : vector<16xf32>
        %swap3A_301 = arith.constant 2 : i32
        %swap3A_302 = arith.index_cast %swap3A_301 : i32 to index
        %swap3A_303 = arith.index_cast %add3A_255 : i32 to index
        %swap3A_304 = arith.constant 32 : index
        %swap3A_305 = tpu.vector_load %arg7[%swap3A_302, %swap3A_303, %swap3A_304] {strides = array<i32>} : memref<4x200x64xf32, #tpu.memory_space<vmem>>, vector<1x1x16xf32>,
        %swap3A_306 = vector.shape_cast %swap3A_305 : vector<1x1x16xf32> to vector<16xf32>
        %swap3A_307 = vector.shape_cast %add3A_300 : vector<16xf32> to vector<1x1x16xf32>
        tpu.vector_store %arg7[%swap3A_302, %swap3A_303, %swap3A_304], %swap3A_307 {strides = array<i32>} : memref<4x200x64xf32, #tpu.memory_space<vmem>>, vector<1x1x16xf32>,
        %get3A_308 = arith.constant 2 : i32
        %get3A_309 = arith.index_cast %get3A_308 : i32 to index
        %get3A_310 = arith.index_cast %add3A_255 : i32 to index
        %get3A_311 = arith.constant 48 : index
        %get3A_312 = tpu.vector_load %arg7[%get3A_309, %get3A_310, %get3A_311] {strides = array<i32>} : memref<4x200x64xf32, #tpu.memory_space<vmem>>, vector<1x1x16xf32>,
        %get3A_313 = vector.shape_cast %get3A_312 : vector<1x1x16xf32> to vector<16xf32>
        %get3A_314 = arith.index_cast %add3A_255 : i32 to index
        %get3A_315 = arith.constant 48 : index
        %get3A_316 = tpu.vector_load %arg8[%get3A_314, %get3A_315] {strides = array<i32>} : memref<200x64xf32, #tpu.memory_space<vmem>>, vector<1x16xf32>,
        %get3A_317 = vector.shape_cast %get3A_316 : vector<1x16xf32> to vector<16xf32>
        %add3A_318 = arith.addf %get3A_313, %get3A_317 : vector<16xf32>
        %swap3A_319 = arith.constant 2 : i32
        %swap3A_320 = arith.index_cast %swap3A_319 : i32 to index
        %swap3A_321 = arith.index_cast %add3A_255 : i32 to index
        %swap3A_322 = arith.constant 48 : index
        %swap3A_323 = tpu.vector_load %arg7[%swap3A_320, %swap3A_321, %swap3A_322] {strides = array<i32>} : memref<4x200x64xf32, #tpu.memory_space<vmem>>, vector<1x1x16xf32>,
        %swap3A_324 = vector.shape_cast %swap3A_323 : vector<1x1x16xf32> to vector<16xf32>
        %swap3A_325 = vector.shape_cast %add3A_318 : vector<16xf32> to vector<1x1x16xf32>
        tpu.vector_store %arg7[%swap3A_320, %swap3A_321, %swap3A_322], %swap3A_325 {strides = array<i32>} : memref<4x200x64xf32, #tpu.memory_space<vmem>>, vector<1x1x16xf32>,
      }
      %scan3A_197 = arith.constant 200 : i32
      %add3A_198 = arith.constant 4 : i32
      %add3A_199 = arith.addi %add3A_168, %add3A_198 : i32
      %sub3A_200 = arith.constant 1 : i32
      %sub3A_201 = arith.subi %add3A_199, %sub3A_200 : i32
      %lt3A_202 = arith.constant 32 : i32
      %lt3A_203 = arith.cmpi slt, %sub3A_201, %lt3A_202 : i32
      %convert_element_type3A_204 = arith.extui %lt3A_203 : i1 to i32
      %cond3A_205 = arith.constant 0 : i32
      %cond3A_206 = arith.cmpi ne, %convert_element_type3A_204, %cond3A_205 : i32
      scf.if %cond3A_206 {
        %add3A_251 = arith.constant 4 : i32
        %add3A_252 = arith.addi %add3A_168, %add3A_251 : i32
        %sub3A_253 = arith.constant 1 : i32
        %sub3A_254 = arith.subi %add3A_252, %sub3A_253 : i32
        %dma_start3A_255 = arith.constant 0 : i32
        %dma_start3A_256 = arith.constant 1 : i32
        %dma_start3A_257 = arith.constant 0 : i32
        %dma_start3A_258 = arith.constant 0 : i32
        %dma_start3A_259 = tpu.memref_slice %arg7[%dma_start3A_256, %dma_start3A_257, %dma_start3A_258] : memref<4x200x64xf32, #tpu.memory_space<vmem>> -> memref<1x100x64xf32, #tpu.memory_space<vmem>>
        %dma_start3A_260 = tpu.memref_squeeze %dma_start3A_259 : memref<1x100x64xf32, #tpu.memory_space<vmem>> -> memref<100x64xf32, #tpu.memory_space<vmem>>
        %dma_start3A_261 = arith.constant 0 : i32
        %dma_start3A_262 = tpu.memref_slice %arg6[%sub3A_254, %dma_start3A_255, %dma_start3A_261] : memref<32x2x100xi32, #tpu.memory_space<vmem>> -> memref<1x1x100xi32, #tpu.memory_space<vmem>>
        %dma_start3A_263 = tpu.memref_squeeze %dma_start3A_262 : memref<1x1x100xi32, #tpu.memory_space<vmem>> -> memref<100xi32, #tpu.memory_space<vmem>>
        %dma_start3A_264 = arith.constant 0 : i32
        %dma_start3A_265 = arith.constant 0 : i32
        %dma_start3A_266 = tpu.memref_slice %arg4[%dma_start3A_264, %dma_start3A_265] : memref<1000000x64xf32, #tpu.memory_space<hbm>> -> memref<1000000x64xf32, #tpu.memory_space<hbm>>
        tpu.enqueue_indirect_dma source(%dma_start3A_266 : memref<1000000x64xf32, #tpu.memory_space<hbm>>) target(%dma_start3A_260 : memref<100x64xf32, #tpu.memory_space<vmem>>) offsets(%dma_start3A_263 : memref<100xi32, #tpu.memory_space<vmem>>) semaphore(%arg10 : memref<!tpu.dma_semaphore, #tpu.memory_space<semaphore_mem>>)
        %dma_start3A_267 = arith.constant 1 : i32
        %dma_start3A_268 = arith.constant 1 : i32
        %dma_start3A_269 = arith.constant 100 : i32
        %dma_start3A_270 = arith.constant 0 : i32
        %dma_start3A_271 = tpu.memref_slice %arg7[%dma_start3A_268, %dma_start3A_269, %dma_start3A_270] : memref<4x200x64xf32, #tpu.memory_space<vmem>> -> memref<1x100x64xf32, #tpu.memory_space<vmem>>
        %dma_start3A_272 = tpu.memref_squeeze %dma_start3A_271 : memref<1x100x64xf32, #tpu.memory_space<vmem>> -> memref<100x64xf32, #tpu.memory_space<vmem>>
        %dma_start3A_273 = arith.constant 0 : i32
        %dma_start3A_274 = tpu.memref_slice %arg6[%sub3A_254, %dma_start3A_267, %dma_start3A_273] : memref<32x2x100xi32, #tpu.memory_space<vmem>> -> memref<1x1x100xi32, #tpu.memory_space<vmem>>
        %dma_start3A_275 = tpu.memref_squeeze %dma_start3A_274 : memref<1x1x100xi32, #tpu.memory_space<vmem>> -> memref<100xi32, #tpu.memory_space<vmem>>
        %dma_start3A_276 = arith.constant 0 : i32
        %dma_start3A_277 = arith.constant 0 : i32
        %dma_start3A_278 = tpu.memref_slice %arg4[%dma_start3A_276, %dma_start3A_277] : memref<1000000x64xf32, #tpu.memory_space<hbm>> -> memref<1000000x64xf32, #tpu.memory_space<hbm>>
        tpu.enqueue_indirect_dma source(%dma_start3A_278 : memref<1000000x64xf32, #tpu.memory_space<hbm>>) target(%dma_start3A_272 : memref<100x64xf32, #tpu.memory_space<vmem>>) offsets(%dma_start3A_275 : memref<100xi32, #tpu.memory_space<vmem>>) semaphore(%arg10 : memref<!tpu.dma_semaphore, #tpu.memory_space<semaphore_mem>>)
      } else {
      }
      %add3A_207 = arith.addi %mul3A_2, %add3A_168 : i32
      %run_scoped3A_208 = arith.constant 2 : i32
      "tpu.region"() ({
        %run_scoped3A_251 = tpu.sem_alloc : memref<!tpu.dma_semaphore, #tpu.memory_space<semaphore_mem>>
        %dma_start3A_252 = arith.constant 0 : i32
        %dma_start3A_253 = arith.constant 0 : i32
        %dma_start3A_254 = tpu.memref_slice %arg7[%run_scoped3A_208, %dma_start3A_252, %dma_start3A_253] : memref<4x200x64xf32, #tpu.memory_space<vmem>> -> memref<1x200x64xf32, #tpu.memory_space<vmem>>
        %dma_start3A_255 = tpu.memref_squeeze %dma_start3A_254 : memref<1x200x64xf32, #tpu.memory_space<vmem>> -> memref<200x64xf32, #tpu.memory_space<vmem>>
        %dma_start3A_256 = arith.constant 0 : i32
        %dma_start3A_257 = arith.constant 0 : i32
        %dma_start3A_258 = tpu.memref_slice %arg5[%add3A_207, %dma_start3A_256, %dma_start3A_257] : memref<1024x200x64xf32, #tpu.memory_space<hbm>> -> memref<1x200x64xf32, #tpu.memory_space<hbm>>
        %dma_start3A_259 = tpu.memref_squeeze %dma_start3A_258 : memref<1x200x64xf32, #tpu.memory_space<hbm>> -> memref<200x64xf32, #tpu.memory_space<hbm>>
        %dma_start3A_260 = arith.constant 0 : i32
        %dma_start3A_261 = arith.constant 0 : i32
        %dma_start3A_262 = tpu.memref_slice %arg5[%add3A_207, %dma_start3A_260, %dma_start3A_261] : memref<1024x200x64xf32, #tpu.memory_space<hbm>> -> memref<1x200x64xf32, #tpu.memory_space<hbm>>
        %dma_start3A_263 = tpu.memref_squeeze %dma_start3A_262 : memref<1x200x64xf32, #tpu.memory_space<hbm>> -> memref<200x64xf32, #tpu.memory_space<hbm>>
        %dma_start3A_264 = arith.constant 0 : i32
        %dma_start3A_265 = arith.constant 0 : i32
        %dma_start3A_266 = tpu.memref_slice %arg7[%run_scoped3A_208, %dma_start3A_264, %dma_start3A_265] : memref<4x200x64xf32, #tpu.memory_space<vmem>> -> memref<1x200x64xf32, #tpu.memory_space<vmem>>
        %dma_start3A_267 = tpu.memref_squeeze %dma_start3A_266 : memref<1x200x64xf32, #tpu.memory_space<vmem>> -> memref<200x64xf32, #tpu.memory_space<vmem>>
        tpu.enqueue_dma source(%dma_start3A_267 : memref<200x64xf32, #tpu.memory_space<vmem>>) target(%dma_start3A_263 : memref<200x64xf32, #tpu.memory_space<hbm>>) target_semaphore(%run_scoped3A_251 : memref<!tpu.dma_semaphore, #tpu.memory_space<semaphore_mem>>)
        %dma_wait3A_268 = arith.constant 0 : i32
        %dma_wait3A_269 = arith.constant 0 : i32
        %dma_wait3A_270 = tpu.memref_slice %arg7[%run_scoped3A_208, %dma_wait3A_268, %dma_wait3A_269] : memref<4x200x64xf32, #tpu.memory_space<vmem>> -> memref<1x200x64xf32, #tpu.memory_space<vmem>>
        %dma_wait3A_271 = tpu.memref_squeeze %dma_wait3A_270 : memref<1x200x64xf32, #tpu.memory_space<vmem>> -> memref<200x64xf32, #tpu.memory_space<vmem>>
        %dma_wait3A_272 = arith.constant 0 : i32
        %dma_wait3A_273 = arith.constant 0 : i32
        %dma_wait3A_274 = tpu.memref_slice %arg5[%add3A_207, %dma_wait3A_272, %dma_wait3A_273] : memref<1024x200x64xf32, #tpu.memory_space<hbm>> -> memref<1x200x64xf32, #tpu.memory_space<hbm>>
        %dma_wait3A_275 = tpu.memref_squeeze %dma_wait3A_274 : memref<1x200x64xf32, #tpu.memory_space<hbm>> -> memref<200x64xf32, #tpu.memory_space<hbm>>
        %dma_wait3A_276 = arith.constant 0 : i32
        %dma_wait3A_277 = arith.constant 0 : i32
        %dma_wait3A_278 = tpu.memref_slice %arg5[%add3A_207, %dma_wait3A_276, %dma_wait3A_277] : memref<1024x200x64xf32, #tpu.memory_space<hbm>> -> memref<1x200x64xf32, #tpu.memory_space<hbm>>
        %dma_wait3A_279 = tpu.memref_squeeze %dma_wait3A_278 : memref<1x200x64xf32, #tpu.memory_space<hbm>> -> memref<200x64xf32, #tpu.memory_space<hbm>>
        %dma_wait3A_280 = arith.constant 0 : i32
        %dma_wait3A_281 = arith.constant 0 : i32
        %dma_wait3A_282 = tpu.memref_slice %arg7[%run_scoped3A_208, %dma_wait3A_280, %dma_wait3A_281] : memref<4x200x64xf32, #tpu.memory_space<vmem>> -> memref<1x200x64xf32, #tpu.memory_space<vmem>>
        %dma_wait3A_283 = tpu.memref_squeeze %dma_wait3A_282 : memref<1x200x64xf32, #tpu.memory_space<vmem>> -> memref<200x64xf32, #tpu.memory_space<vmem>>
        tpu.wait_dma2 semaphore(%run_scoped3A_251 : memref<!tpu.dma_semaphore, #tpu.memory_space<semaphore_mem>>) src(%dma_wait3A_283 : memref<200x64xf32, #tpu.memory_space<vmem>>) dst(%dma_wait3A_279 : memref<200x64xf32, #tpu.memory_space<hbm>>)
        tpu.yield
      }) : () -> ()
      %add3A_209 = arith.constant 3 : i32
      %add3A_210 = arith.addi %add3A_88, %add3A_209 : i32
      %dma_wait3A_211 = arith.constant 0 : i32
      %dma_wait3A_212 = arith.constant 3 : i32
      %dma_wait3A_213 = arith.constant 0 : i32
      %dma_wait3A_214 = arith.constant 0 : i32
      %dma_wait3A_215 = tpu.memref_slice %arg7[%dma_wait3A_212, %dma_wait3A_213, %dma_wait3A_214] : memref<4x200x64xf32, #tpu.memory_space<vmem>> -> memref<1x100x64xf32, #tpu.memory_space<vmem>>
      %dma_wait3A_216 = tpu.memref_squeeze %dma_wait3A_215 : memref<1x100x64xf32, #tpu.memory_space<vmem>> -> memref<100x64xf32, #tpu.memory_space<vmem>>
      %dma_wait3A_217 = arith.constant 0 : i32
      %dma_wait3A_218 = tpu.memref_slice %arg6[%add3A_210, %dma_wait3A_211, %dma_wait3A_217] : memref<32x2x100xi32, #tpu.memory_space<vmem>> -> memref<1x1x100xi32, #tpu.memory_space<vmem>>
      %dma_wait3A_219 = tpu.memref_squeeze %dma_wait3A_218 : memref<1x1x100xi32, #tpu.memory_space<vmem>> -> memref<100xi32, #tpu.memory_space<vmem>>
      %dma_wait3A_220 = arith.constant 0 : i32
      %dma_wait3A_221 = arith.constant 0 : i32
      %dma_wait3A_222 = tpu.memref_slice %arg4[%dma_wait3A_220, %dma_wait3A_221] : memref<1000000x64xf32, #tpu.memory_space<hbm>> -> memref<1000000x64xf32, #tpu.memory_space<hbm>>
      tpu.wait_indirect_dma semaphore(%arg12 : memref<!tpu.dma_semaphore, #tpu.memory_space<semaphore_mem>>) src(%dma_wait3A_222 : memref<1000000x64xf32, #tpu.memory_space<hbm>>) dst(%dma_wait3A_216 : memref<100x64xf32, #tpu.memory_space<vmem>>)
      %dma_wait3A_223 = arith.constant 1 : i32
      %dma_wait3A_224 = arith.constant 3 : i32
      %dma_wait3A_225 = arith.constant 100 : i32
      %dma_wait3A_226 = arith.constant 0 : i32
      %dma_wait3A_227 = tpu.memref_slice %arg7[%dma_wait3A_224, %dma_wait3A_225, %dma_wait3A_226] : memref<4x200x64xf32, #tpu.memory_space<vmem>> -> memref<1x100x64xf32, #tpu.memory_space<vmem>>
      %dma_wait3A_228 = tpu.memref_squeeze %dma_wait3A_227 : memref<1x100x64xf32, #tpu.memory_space<vmem>> -> memref<100x64xf32, #tpu.memory_space<vmem>>
      %dma_wait3A_229 = arith.constant 0 : i32
      %dma_wait3A_230 = tpu.memref_slice %arg6[%add3A_210, %dma_wait3A_223, %dma_wait3A_229] : memref<32x2x100xi32, #tpu.memory_space<vmem>> -> memref<1x1x100xi32, #tpu.memory_space<vmem>>
      %dma_wait3A_231 = tpu.memref_squeeze %dma_wait3A_230 : memref<1x1x100xi32, #tpu.memory_space<vmem>> -> memref<100xi32, #tpu.memory_space<vmem>>
      %dma_wait3A_232 = arith.constant 0 : i32
      %dma_wait3A_233 = arith.constant 0 : i32
      %dma_wait3A_234 = tpu.memref_slice %arg4[%dma_wait3A_232, %dma_wait3A_233] : memref<1000000x64xf32, #tpu.memory_space<hbm>> -> memref<1000000x64xf32, #tpu.memory_space<hbm>>
      tpu.wait_indirect_dma semaphore(%arg12 : memref<!tpu.dma_semaphore, #tpu.memory_space<semaphore_mem>>) src(%dma_wait3A_234 : memref<1000000x64xf32, #tpu.memory_space<hbm>>) dst(%dma_wait3A_228 : memref<100x64xf32, #tpu.memory_space<vmem>>)
      %scan3A_235 = arith.constant 0 : i32
      %scan3A_236 = arith.constant 200 : i32
      %scan3A_237 = arith.addi %scan3A_235, %scan3A_236 : i32
      %scan3A_238 = arith.constant 1 : i32
      scf.for %scan3A_251 = %scan3A_235 to %scan3A_237 step %scan3A_238  : i32 {
        %mul3A_252 = arith.constant 1 : i32
        %mul3A_253 = arith.muli %scan3A_251, %mul3A_252 : i32
        %add3A_254 = arith.constant 0 : i32
        %add3A_255 = arith.addi %add3A_254, %mul3A_253 : i32
        %get3A = arith.constant 3 : i32
        %get3A_256 = arith.index_cast %get3A : i32 to index
        %get3A_257 = arith.index_cast %add3A_255 : i32 to index
        %get3A_258 = arith.constant 0 : index
        %get3A_259 = tpu.vector_load %arg7[%get3A_256, %get3A_257, %get3A_258] {strides = array<i32>} : memref<4x200x64xf32, #tpu.memory_space<vmem>>, vector<1x1x16xf32>,
        %get3A_260 = vector.shape_cast %get3A_259 : vector<1x1x16xf32> to vector<16xf32>
        %get3A_261 = arith.index_cast %add3A_255 : i32 to index
        %get3A_262 = arith.constant 0 : index
        %get3A_263 = tpu.vector_load %arg8[%get3A_261, %get3A_262] {strides = array<i32>} : memref<200x64xf32, #tpu.memory_space<vmem>>, vector<1x16xf32>,
        %get3A_264 = vector.shape_cast %get3A_263 : vector<1x16xf32> to vector<16xf32>
        %add3A_265 = arith.addf %get3A_260, %get3A_264 : vector<16xf32>
        %swap3A = arith.constant 3 : i32
        %swap3A_266 = arith.index_cast %swap3A : i32 to index
        %swap3A_267 = arith.index_cast %add3A_255 : i32 to index
        %swap3A_268 = arith.constant 0 : index
        %swap3A_269 = tpu.vector_load %arg7[%swap3A_266, %swap3A_267, %swap3A_268] {strides = array<i32>} : memref<4x200x64xf32, #tpu.memory_space<vmem>>, vector<1x1x16xf32>,
        %swap3A_270 = vector.shape_cast %swap3A_269 : vector<1x1x16xf32> to vector<16xf32>
        %swap3A_271 = vector.shape_cast %add3A_265 : vector<16xf32> to vector<1x1x16xf32>
        tpu.vector_store %arg7[%swap3A_266, %swap3A_267, %swap3A_268], %swap3A_271 {strides = array<i32>} : memref<4x200x64xf32, #tpu.memory_space<vmem>>, vector<1x1x16xf32>,
        %get3A_272 = arith.constant 3 : i32
        %get3A_273 = arith.index_cast %get3A_272 : i32 to index
        %get3A_274 = arith.index_cast %add3A_255 : i32 to index
        %get3A_275 = arith.constant 16 : index
        %get3A_276 = tpu.vector_load %arg7[%get3A_273, %get3A_274, %get3A_275] {strides = array<i32>} : memref<4x200x64xf32, #tpu.memory_space<vmem>>, vector<1x1x16xf32>,
        %get3A_277 = vector.shape_cast %get3A_276 : vector<1x1x16xf32> to vector<16xf32>
        %get3A_278 = arith.index_cast %add3A_255 : i32 to index
        %get3A_279 = arith.constant 16 : index
        %get3A_280 = tpu.vector_load %arg8[%get3A_278, %get3A_279] {strides = array<i32>} : memref<200x64xf32, #tpu.memory_space<vmem>>, vector<1x16xf32>,
        %get3A_281 = vector.shape_cast %get3A_280 : vector<1x16xf32> to vector<16xf32>
        %add3A_282 = arith.addf %get3A_277, %get3A_281 : vector<16xf32>
        %swap3A_283 = arith.constant 3 : i32
        %swap3A_284 = arith.index_cast %swap3A_283 : i32 to index
        %swap3A_285 = arith.index_cast %add3A_255 : i32 to index
        %swap3A_286 = arith.constant 16 : index
        %swap3A_287 = tpu.vector_load %arg7[%swap3A_284, %swap3A_285, %swap3A_286] {strides = array<i32>} : memref<4x200x64xf32, #tpu.memory_space<vmem>>, vector<1x1x16xf32>,
        %swap3A_288 = vector.shape_cast %swap3A_287 : vector<1x1x16xf32> to vector<16xf32>
        %swap3A_289 = vector.shape_cast %add3A_282 : vector<16xf32> to vector<1x1x16xf32>
        tpu.vector_store %arg7[%swap3A_284, %swap3A_285, %swap3A_286], %swap3A_289 {strides = array<i32>} : memref<4x200x64xf32, #tpu.memory_space<vmem>>, vector<1x1x16xf32>,
        %get3A_290 = arith.constant 3 : i32
        %get3A_291 = arith.index_cast %get3A_290 : i32 to index
        %get3A_292 = arith.index_cast %add3A_255 : i32 to index
        %get3A_293 = arith.constant 32 : index
        %get3A_294 = tpu.vector_load %arg7[%get3A_291, %get3A_292, %get3A_293] {strides = array<i32>} : memref<4x200x64xf32, #tpu.memory_space<vmem>>, vector<1x1x16xf32>,
        %get3A_295 = vector.shape_cast %get3A_294 : vector<1x1x16xf32> to vector<16xf32>
        %get3A_296 = arith.index_cast %add3A_255 : i32 to index
        %get3A_297 = arith.constant 32 : index
        %get3A_298 = tpu.vector_load %arg8[%get3A_296, %get3A_297] {strides = array<i32>} : memref<200x64xf32, #tpu.memory_space<vmem>>, vector<1x16xf32>,
        %get3A_299 = vector.shape_cast %get3A_298 : vector<1x16xf32> to vector<16xf32>
        %add3A_300 = arith.addf %get3A_295, %get3A_299 : vector<16xf32>
        %swap3A_301 = arith.constant 3 : i32
        %swap3A_302 = arith.index_cast %swap3A_301 : i32 to index
        %swap3A_303 = arith.index_cast %add3A_255 : i32 to index
        %swap3A_304 = arith.constant 32 : index
        %swap3A_305 = tpu.vector_load %arg7[%swap3A_302, %swap3A_303, %swap3A_304] {strides = array<i32>} : memref<4x200x64xf32, #tpu.memory_space<vmem>>, vector<1x1x16xf32>,
        %swap3A_306 = vector.shape_cast %swap3A_305 : vector<1x1x16xf32> to vector<16xf32>
        %swap3A_307 = vector.shape_cast %add3A_300 : vector<16xf32> to vector<1x1x16xf32>
        tpu.vector_store %arg7[%swap3A_302, %swap3A_303, %swap3A_304], %swap3A_307 {strides = array<i32>} : memref<4x200x64xf32, #tpu.memory_space<vmem>>, vector<1x1x16xf32>,
        %get3A_308 = arith.constant 3 : i32
        %get3A_309 = arith.index_cast %get3A_308 : i32 to index
        %get3A_310 = arith.index_cast %add3A_255 : i32 to index
        %get3A_311 = arith.constant 48 : index
        %get3A_312 = tpu.vector_load %arg7[%get3A_309, %get3A_310, %get3A_311] {strides = array<i32>} : memref<4x200x64xf32, #tpu.memory_space<vmem>>, vector<1x1x16xf32>,
        %get3A_313 = vector.shape_cast %get3A_312 : vector<1x1x16xf32> to vector<16xf32>
        %get3A_314 = arith.index_cast %add3A_255 : i32 to index
        %get3A_315 = arith.constant 48 : index
        %get3A_316 = tpu.vector_load %arg8[%get3A_314, %get3A_315] {strides = array<i32>} : memref<200x64xf32, #tpu.memory_space<vmem>>, vector<1x16xf32>,
        %get3A_317 = vector.shape_cast %get3A_316 : vector<1x16xf32> to vector<16xf32>
        %add3A_318 = arith.addf %get3A_313, %get3A_317 : vector<16xf32>
        %swap3A_319 = arith.constant 3 : i32
        %swap3A_320 = arith.index_cast %swap3A_319 : i32 to index
        %swap3A_321 = arith.index_cast %add3A_255 : i32 to index
        %swap3A_322 = arith.constant 48 : index
        %swap3A_323 = tpu.vector_load %arg7[%swap3A_320, %swap3A_321, %swap3A_322] {strides = array<i32>} : memref<4x200x64xf32, #tpu.memory_space<vmem>>, vector<1x1x16xf32>,
        %swap3A_324 = vector.shape_cast %swap3A_323 : vector<1x1x16xf32> to vector<16xf32>
        %swap3A_325 = vector.shape_cast %add3A_318 : vector<16xf32> to vector<1x1x16xf32>
        tpu.vector_store %arg7[%swap3A_320, %swap3A_321, %swap3A_322], %swap3A_325 {strides = array<i32>} : memref<4x200x64xf32, #tpu.memory_space<vmem>>, vector<1x1x16xf32>,
      }
      %scan3A_239 = arith.constant 200 : i32
      %add3A_240 = arith.constant 4 : i32
      %add3A_241 = arith.addi %add3A_210, %add3A_240 : i32
      %sub3A_242 = arith.constant 1 : i32
      %sub3A_243 = arith.subi %add3A_241, %sub3A_242 : i32
      %lt3A_244 = arith.constant 32 : i32
      %lt3A_245 = arith.cmpi slt, %sub3A_243, %lt3A_244 : i32
      %convert_element_type3A_246 = arith.extui %lt3A_245 : i1 to i32
      %cond3A_247 = arith.constant 0 : i32
      %cond3A_248 = arith.cmpi ne, %convert_element_type3A_246, %cond3A_247 : i32
      scf.if %cond3A_248 {
        %add3A_251 = arith.constant 4 : i32
        %add3A_252 = arith.addi %add3A_210, %add3A_251 : i32
        %sub3A_253 = arith.constant 1 : i32
        %sub3A_254 = arith.subi %add3A_252, %sub3A_253 : i32
        %dma_start3A_255 = arith.constant 0 : i32
        %dma_start3A_256 = arith.constant 2 : i32
        %dma_start3A_257 = arith.constant 0 : i32
        %dma_start3A_258 = arith.constant 0 : i32
        %dma_start3A_259 = tpu.memref_slice %arg7[%dma_start3A_256, %dma_start3A_257, %dma_start3A_258] : memref<4x200x64xf32, #tpu.memory_space<vmem>> -> memref<1x100x64xf32, #tpu.memory_space<vmem>>
        %dma_start3A_260 = tpu.memref_squeeze %dma_start3A_259 : memref<1x100x64xf32, #tpu.memory_space<vmem>> -> memref<100x64xf32, #tpu.memory_space<vmem>>
        %dma_start3A_261 = arith.constant 0 : i32
        %dma_start3A_262 = tpu.memref_slice %arg6[%sub3A_254, %dma_start3A_255, %dma_start3A_261] : memref<32x2x100xi32, #tpu.memory_space<vmem>> -> memref<1x1x100xi32, #tpu.memory_space<vmem>>
        %dma_start3A_263 = tpu.memref_squeeze %dma_start3A_262 : memref<1x1x100xi32, #tpu.memory_space<vmem>> -> memref<100xi32, #tpu.memory_space<vmem>>
        %dma_start3A_264 = arith.constant 0 : i32
        %dma_start3A_265 = arith.constant 0 : i32
        %dma_start3A_266 = tpu.memref_slice %arg4[%dma_start3A_264, %dma_start3A_265] : memref<1000000x64xf32, #tpu.memory_space<hbm>> -> memref<1000000x64xf32, #tpu.memory_space<hbm>>
        tpu.enqueue_indirect_dma source(%dma_start3A_266 : memref<1000000x64xf32, #tpu.memory_space<hbm>>) target(%dma_start3A_260 : memref<100x64xf32, #tpu.memory_space<vmem>>) offsets(%dma_start3A_263 : memref<100xi32, #tpu.memory_space<vmem>>) semaphore(%arg11 : memref<!tpu.dma_semaphore, #tpu.memory_space<semaphore_mem>>)
        %dma_start3A_267 = arith.constant 1 : i32
        %dma_start3A_268 = arith.constant 2 : i32
        %dma_start3A_269 = arith.constant 100 : i32
        %dma_start3A_270 = arith.constant 0 : i32
        %dma_start3A_271 = tpu.memref_slice %arg7[%dma_start3A_268, %dma_start3A_269, %dma_start3A_270] : memref<4x200x64xf32, #tpu.memory_space<vmem>> -> memref<1x100x64xf32, #tpu.memory_space<vmem>>
        %dma_start3A_272 = tpu.memref_squeeze %dma_start3A_271 : memref<1x100x64xf32, #tpu.memory_space<vmem>> -> memref<100x64xf32, #tpu.memory_space<vmem>>
        %dma_start3A_273 = arith.constant 0 : i32
        %dma_start3A_274 = tpu.memref_slice %arg6[%sub3A_254, %dma_start3A_267, %dma_start3A_273] : memref<32x2x100xi32, #tpu.memory_space<vmem>> -> memref<1x1x100xi32, #tpu.memory_space<vmem>>
        %dma_start3A_275 = tpu.memref_squeeze %dma_start3A_274 : memref<1x1x100xi32, #tpu.memory_space<vmem>> -> memref<100xi32, #tpu.memory_space<vmem>>
        %dma_start3A_276 = arith.constant 0 : i32
        %dma_start3A_277 = arith.constant 0 : i32
        %dma_start3A_278 = tpu.memref_slice %arg4[%dma_start3A_276, %dma_start3A_277] : memref<1000000x64xf32, #tpu.memory_space<hbm>> -> memref<1000000x64xf32, #tpu.memory_space<hbm>>
        tpu.enqueue_indirect_dma source(%dma_start3A_278 : memref<1000000x64xf32, #tpu.memory_space<hbm>>) target(%dma_start3A_272 : memref<100x64xf32, #tpu.memory_space<vmem>>) offsets(%dma_start3A_275 : memref<100xi32, #tpu.memory_space<vmem>>) semaphore(%arg11 : memref<!tpu.dma_semaphore, #tpu.memory_space<semaphore_mem>>)
      } else {
      }
      %add3A_249 = arith.addi %mul3A_2, %add3A_210 : i32
      %run_scoped3A_250 = arith.constant 3 : i32
      "tpu.region"() ({
        %run_scoped3A_251 = tpu.sem_alloc : memref<!tpu.dma_semaphore, #tpu.memory_space<semaphore_mem>>
        %dma_start3A_252 = arith.constant 0 : i32
        %dma_start3A_253 = arith.constant 0 : i32
        %dma_start3A_254 = tpu.memref_slice %arg7[%run_scoped3A_250, %dma_start3A_252, %dma_start3A_253] : memref<4x200x64xf32, #tpu.memory_space<vmem>> -> memref<1x200x64xf32, #tpu.memory_space<vmem>>
        %dma_start3A_255 = tpu.memref_squeeze %dma_start3A_254 : memref<1x200x64xf32, #tpu.memory_space<vmem>> -> memref<200x64xf32, #tpu.memory_space<vmem>>
        %dma_start3A_256 = arith.constant 0 : i32
        %dma_start3A_257 = arith.constant 0 : i32
        %dma_start3A_258 = tpu.memref_slice %arg5[%add3A_249, %dma_start3A_256, %dma_start3A_257] : memref<1024x200x64xf32, #tpu.memory_space<hbm>> -> memref<1x200x64xf32, #tpu.memory_space<hbm>>
        %dma_start3A_259 = tpu.memref_squeeze %dma_start3A_258 : memref<1x200x64xf32, #tpu.memory_space<hbm>> -> memref<200x64xf32, #tpu.memory_space<hbm>>
        %dma_start3A_260 = arith.constant 0 : i32
        %dma_start3A_261 = arith.constant 0 : i32
        %dma_start3A_262 = tpu.memref_slice %arg5[%add3A_249, %dma_start3A_260, %dma_start3A_261] : memref<1024x200x64xf32, #tpu.memory_space<hbm>> -> memref<1x200x64xf32, #tpu.memory_space<hbm>>
        %dma_start3A_263 = tpu.memref_squeeze %dma_start3A_262 : memref<1x200x64xf32, #tpu.memory_space<hbm>> -> memref<200x64xf32, #tpu.memory_space<hbm>>
        %dma_start3A_264 = arith.constant 0 : i32
        %dma_start3A_265 = arith.constant 0 : i32
        %dma_start3A_266 = tpu.memref_slice %arg7[%run_scoped3A_250, %dma_start3A_264, %dma_start3A_265] : memref<4x200x64xf32, #tpu.memory_space<vmem>> -> memref<1x200x64xf32, #tpu.memory_space<vmem>>
        %dma_start3A_267 = tpu.memref_squeeze %dma_start3A_266 : memref<1x200x64xf32, #tpu.memory_space<vmem>> -> memref<200x64xf32, #tpu.memory_space<vmem>>
        tpu.enqueue_dma source(%dma_start3A_267 : memref<200x64xf32, #tpu.memory_space<vmem>>) target(%dma_start3A_263 : memref<200x64xf32, #tpu.memory_space<hbm>>) target_semaphore(%run_scoped3A_251 : memref<!tpu.dma_semaphore, #tpu.memory_space<semaphore_mem>>)
        %dma_wait3A_268 = arith.constant 0 : i32
        %dma_wait3A_269 = arith.constant 0 : i32
        %dma_wait3A_270 = tpu.memref_slice %arg7[%run_scoped3A_250, %dma_wait3A_268, %dma_wait3A_269] : memref<4x200x64xf32, #tpu.memory_space<vmem>> -> memref<1x200x64xf32, #tpu.memory_space<vmem>>
        %dma_wait3A_271 = tpu.memref_squeeze %dma_wait3A_270 : memref<1x200x64xf32, #tpu.memory_space<vmem>> -> memref<200x64xf32, #tpu.memory_space<vmem>>
        %dma_wait3A_272 = arith.constant 0 : i32
        %dma_wait3A_273 = arith.constant 0 : i32
        %dma_wait3A_274 = tpu.memref_slice %arg5[%add3A_249, %dma_wait3A_272, %dma_wait3A_273] : memref<1024x200x64xf32, #tpu.memory_space<hbm>> -> memref<1x200x64xf32, #tpu.memory_space<hbm>>
        %dma_wait3A_275 = tpu.memref_squeeze %dma_wait3A_274 : memref<1x200x64xf32, #tpu.memory_space<hbm>> -> memref<200x64xf32, #tpu.memory_space<hbm>>
        %dma_wait3A_276 = arith.constant 0 : i32
        %dma_wait3A_277 = arith.constant 0 : i32
        %dma_wait3A_278 = tpu.memref_slice %arg5[%add3A_249, %dma_wait3A_276, %dma_wait3A_277] : memref<1024x200x64xf32, #tpu.memory_space<hbm>> -> memref<1x200x64xf32, #tpu.memory_space<hbm>>
        %dma_wait3A_279 = tpu.memref_squeeze %dma_wait3A_278 : memref<1x200x64xf32, #tpu.memory_space<hbm>> -> memref<200x64xf32, #tpu.memory_space<hbm>>
        %dma_wait3A_280 = arith.constant 0 : i32
        %dma_wait3A_281 = arith.constant 0 : i32
        %dma_wait3A_282 = tpu.memref_slice %arg7[%run_scoped3A_250, %dma_wait3A_280, %dma_wait3A_281] : memref<4x200x64xf32, #tpu.memory_space<vmem>> -> memref<1x200x64xf32, #tpu.memory_space<vmem>>
        %dma_wait3A_283 = tpu.memref_squeeze %dma_wait3A_282 : memref<1x200x64xf32, #tpu.memory_space<vmem>> -> memref<200x64xf32, #tpu.memory_space<vmem>>
        tpu.wait_dma2 semaphore(%run_scoped3A_251 : memref<!tpu.dma_semaphore, #tpu.memory_space<semaphore_mem>>) src(%dma_wait3A_283 : memref<200x64xf32, #tpu.memory_space<vmem>>) dst(%dma_wait3A_279 : memref<200x64xf32, #tpu.memory_space<hbm>>)
        tpu.yield
      }) : () -> ()
    }
    %scan3A_83 = arith.constant 8 : i32
    return
  }
}

</mosaic_0001>

<sc_bundles>
// kernel: kernel.3.cloned.1.call-start
scs
__scs_entry_jumppad:
0x0: {  	(pc) =	sbr.rel $0x88, $3  }
0x1: {  	(tag) =	ssettag $0x0;
	lr =	simm.s32 $0x1  }
0x2: {  	[smem:$0x3F9F] =	sst lr;
	_ =	strace $0xD0000000  }
0x3: {  	_ = 	snop  }
0x4: {  	_ = 	snop  }
0x5: {  	_ = 	snop  }
0x6: {  	_ = 	snop  }
0x7: {  	_ = 	snop  }
__scs_overlays_trampoline_lowered:
0x8: {  	[smem:$0x3FAE] =	sst s0  }
0x9: {  	[smem:$0x3FAF] =	sst s1  }
0xa: {  	[smem:$0x3FB0] =	sst s2  }
0xb: {  	[smem:$0x3FB1] =	sst s3  }
0xc: {  	[smem:$0x3FB2] =	sst s4  }
0xd: {  	[smem:$0x3FB3] =	sst s5  }
0xe: {  	[smem:$0x3FB4] =	sst s6  }
0xf: {  	[smem:$0x3FB5] =	sst s7  }
0x10: {  	[smem:$0x3FB6] =	sst s8  }
0x11: {  	[smem:$0x3FB7] =	sst s9;
	s0 =	simm.s32 @!p0 $0x0  }
0x12: {  	s1 =	sld [smem:$0x3F9D];
	s0 =	simm.s32 @p0 $0x1  }
0x13: {  	[smem:$0x3FB8] =	sst s0;
	s0 =	simm.s32 @!p1 $0x0  }
0x14: {  	s2 =	sld [smem:$0x3F9C];
	s0 =	simm.s32 @p1 $0x1  }
0x15: {  	[smem:$0x3FB9] =	sst s0;
	s0 =	simm.s32 @!p2 $0x0  }
0x16: {  	s3 =	sld [smem:$0x3FDB];
	s0 =	simm.s32 @p2 $0x1  }
0x17: {  	s4 =	simm.s32 $0x1BF5;
	[smem:$0x3FBB] =	sst s0  }
0x18: {  	s0 =	sld [smem:$0x3F9E];
	_ =	swait.ge [sflag:s4], $0x0  }
0x19: {  	s7 =	sld [smem:$0x3F9F]  }
0x1a: {  	s8 =	sadd.s32 $0xFFFFE003, lr  }
0x1b: {  	s9 =	sadd.s32 $0xFFFFFEF7, lr;
	s5 =	simm.s32 $0xFFFFFFFF;
	p2 =	slt.u32 s8, $0xFFFFF086  }
0x1c: {  	p1 =	slt.u32 s9, $0xF7A;
	s5 =	simm.s32 @!p2 $0x0  }
0x1d: {  	s5 =	simm.s32 @p1 $0x1;
	p0 =	seq.s32 s7, s2  }
0x1e: {  	s7 =	smul.u32 @!p0 $0xF7A, s2;
	p2 =	seq.s32 @!p0 s5, $0x0  }
0x1f: {  	s9 =	smul.u32 $0xF7A, s1;
	s8 =	simm.s32 @!p0 $0x1BF5;
	p2 =	por !p2, p0  }
0x20: {  	[sflag:s8] =	ssyncset.s32 @!p0 $0xFFFFF086;
	s6 =	sadd.s32 @!p0 s3, s7;
	s7 =	simm.s32 @!p0 $0x108  }
0x21: {  	s3 =	sadd.s32 s3, s9;
	s6 =	sadd.s32 @!p0 $0x88, s6;
	s7 =	simm.s32 @p2 $0x1082  }
0x22: {  	[simem:s7], [sflag:s8] =	dma.local @!p0 [hbm:s6], $0xF7A  }
0x23: {  	s9 =	sor.u32 $0xD0000000, s2;
	s6 =	simm.s32 $0x108;
	_ =	swait.ge @!p0 [sflag:s8], $0x0  }
0x24: {  	s3 =	sadd.s32 $0x88, s3;
	s6 =	simm.s32 @!p1 $0x1082;
	[sflag:s4] =	ssyncset.s32 $0xFFFFF086  }
0x25: {  	[simem:s6], [sflag:s4] =	dma.local [hbm:s3], $0xF7A  }
0x26: {  	[smem:$0x3F9F] =	sst s1;
	(tag) =	ssettag s2;
	_ =	strace s9  }
0x27: {  	s1 =	sld [smem:$0x3FAF]  }
0x28: {  	s2 =	sld [smem:$0x3FB0]  }
0x29: {  	s4 =	sld [smem:$0x3FB2]  }
0x2a: {  	p0 =	seq.s32 s5, $0x0;
	s5 =	sld [smem:$0x3FB3]  }
0x2b: {  	s6 =	sld [smem:$0x3FB4]  }
0x2c: {  	s7 =	sld [smem:$0x3FB5]  }
0x2d: {  	s3 =	simm.s32 $0x108;
	s8 =	sld [smem:$0x3FB6]  }
0x2e: {  	s3 =	simm.s32 @!p0 $0x1082;
	s9 =	sld [smem:$0x3FB7]  }
0x2f: {  	lr =	sadd.s32 s0, s3;
	s0 =	sld [smem:$0x3FAE]  }
0x30: {  	s3 =	sld [smem:$0x3FB1]  }
0x31: {  	[smem:$0x3FBA] =	sst s10  }
0x32: {  	s10 =	sld [smem:$0x3FB8];
	_ =	sdelay $0x3  }
0x33: {  	p0 =	seq.s32 s10, $0x1;
	s10 =	sld [smem:$0x3FBA];
	_ =	sdelay $0x3  }
0x34: {  	[smem:$0x3FBA] =	sst s10  }
0x35: {  	s10 =	sld [smem:$0x3FB9];
	_ =	sdelay $0x3  }
0x36: {  	p1 =	seq.s32 s10, $0x1;
	s10 =	sld [smem:$0x3FBA];
	_ =	sdelay $0x3  }
0x37: {  	[smem:$0x3FBA] =	sst s10  }
0x38: {  	s10 =	sld [smem:$0x3FBB]  }
0x39: {  	_ = 	snop;
	(pc) =	sbr.ind lr, $3  }
0x3a: {  	_ = 	snop  }
0x3b: {  	_ = 	snop  }
0x3c: {  	p2 =	seq.s32 s10, $0x1;
	s10 =	sld [smem:$0x3FBA]  }
0x3d: {  	_ =	shalt  }
0x3e: {  	_ =	shalt  }
0x3f: {  	_ =	shalt  }
0x40: {  	_ =	shalt  }
0x41: {  	_ =	shalt  }
0x42: {  	_ =	shalt  }
0x43: {  	_ =	shalt  }
0x44: {  	_ =	shalt  }
0x45: {  	_ =	shalt  }
0x46: {  	_ =	shalt  }
0x47: {  	_ =	shalt  }
0x48: {  	_ =	shalt  }
0x49: {  	_ =	shalt  }
0x4a: {  	_ =	shalt  }
0x4b: {  	_ =	shalt  }
0x4c: {  	_ =	shalt  }
0x4d: {  	_ =	shalt  }
0x4e: {  	_ =	shalt  }
0x4f: {  	_ =	shalt  }
0x50: {  	_ =	shalt  }
0x51: {  	_ =	shalt  }
0x52: {  	_ =	shalt  }
0x53: {  	_ =	shalt  }
0x54: {  	_ =	shalt  }
0x55: {  	_ =	shalt  }
0x56: {  	_ =	shalt  }
0x57: {  	_ =	shalt  }
0x58: {  	_ =	shalt  }
0x59: {  	_ =	shalt  }
0x5a: {  	_ =	shalt  }
0x5b: {  	_ =	shalt  }
0x5c: {  	_ =	shalt  }
0x5d: {  	_ =	shalt  }
0x5e: {  	_ =	shalt  }
0x5f: {  	_ =	shalt  }
0x60: {  	_ =	shalt  }
0x61: {  	_ =	shalt  }
0x62: {  	_ =	shalt  }
0x63: {  	_ =	shalt  }
0x64: {  	_ =	shalt  }
0x65: {  	_ =	shalt  }
0x66: {  	_ =	shalt  }
0x67: {  	_ =	shalt  }
0x68: {  	_ =	shalt  }
0x69: {  	_ =	shalt  }
0x6a: {  	_ =	shalt  }
0x6b: {  	_ =	shalt  }
0x6c: {  	_ =	shalt  }
0x6d: {  	_ =	shalt  }
0x6e: {  	_ =	shalt  }
0x6f: {  	_ =	shalt  }
0x70: {  	_ =	shalt  }
0x71: {  	_ =	shalt  }
0x72: {  	_ =	shalt  }
0x73: {  	_ =	shalt  }
0x74: {  	_ =	shalt  }
0x75: {  	_ =	shalt  }
0x76: {  	_ =	shalt  }
0x77: {  	_ =	shalt  }
0x78: {  	_ =	shalt  }
0x79: {  	_ =	shalt  }
0x7a: {  	_ =	shalt  }
0x7b: {  	_ =	shalt  }
0x7c: {  	_ =	shalt  }
0x7d: {  	_ =	shalt  }
0x7e: {  	_ =	shalt  }
0x7f: {  	_ =	shalt  }
0x80: {  	_ =	shalt  }
0x81: {  	_ =	shalt  }
0x82: {  	_ =	shalt  }
0x83: {  	_ =	shalt  }
0x84: {  	_ =	shalt  }
0x85: {  	_ =	shalt  }
0x86: {  	_ =	shalt  }
0x87: {  	_ =	shalt  }
.Lfunc_end0:
.L_simem_size_0:
called_computation.1_lowered:
.L_overlay_start_0:
0x88: {  	s2 =	sld [smem:$0x3FD9]  }
0x89: {  	s3 =	sld [smem:$0x3FFE];
	_ =	sdelay $0x1  }
0x8a: {  	s1 =	srdreg.scid  }
0x8b: {  	s0 =	sand.u32 $0x1, s1  }
0x8c: {  	s17 =	sshll.u32 s0, $0xA;
	s2 =	sadd.s32 s3, s2  }
0x8d: {  	s2 =	sadd.s32 s2, s17  }
0x8e: {  	[smem:$0x3FC6] =	sst s2  }
0x8f: {  	_ = 	snop  }
0x90: {  	s2 =	sld [smem:$0x3FD0];
	(tm) =	ssettm $0x1  }
0x91: {  	s18 =	sld [smem:$0x3FFB];
	_ =	sdelay $0x3  }
0x92: {  	_ =	strace s18  }
0x93: {  	s3 =	sld [smem:$0x3FFC];
	_ =	sdelay $0x3  }
0x94: {  	_ =	strace s3  }
0x95: {  	s3 =	sld [smem:$0x3FFD];
	_ =	sdelay $0x3  }
0x96: {  	_ =	strace s3  }
0x97: {  	_ =	strace $0x8FFFFFFF  }
0x98: {  	s19 =	sld [smem:$0x3FDB];
	_ =	sdelay $0x1  }
0x99: {  	s4 =	simm.s32 $_scs_section_size  }
0x9a: {  	s5 =	simm.s32 $_size__tile_overlayer_lowered;
	s6 =	simm.s32 $_tile_overlayer_lowered  }
0x9b: {  	s22 =	simm.s32 $0x1BFF;
	s21 =	sshll.u32 s6, $0x1;
	s3 =	sadd.s32 s4, s19  }
0x9c: {  	s7 =	simm.s32 $0x0;
	s20 =	sshll.u32 s5, $0x1;
	s5 =	sadd.s32 s21, s3  }
0x9d: {  	[timem:s7], [sflag:s22] =	dma.local [hbm:s5], s20  }
0x9e: {  	_ =	swait.ge [sflag:s22], s20  }
0x9f: {  	s4 =	ssub.s32 $0x0, s20;
	[sflag:s22] =	ssyncset.done $0x0  }
0xa0: {  	[sflag:s22] =	ssyncadd.s32 s4;
	_ =	sdelay $0x1  }
0xa1: {  	s23 =	simm.s32 $0x1B8B  }
0xa2: {  	_ =	swait.ge [sflag:s23], $0x1  }
0xa3: {  	[sflag:s23] =	ssyncset.done $0x0  }
0xa4: {  	s25 =	simm.s32 $0x1B8E;
	s24 =	sld [smem:$0x3FFE];
	[sflag:s23] =	ssyncadd.s32 $0xFFFFFFFF  }
0xa5: {  	s26 =	simm.s32 $execute0_lowered;
	[smem:$0x3FD2] =	sst s25  }
0xa6: {  	s5 =	sshll.u32 s26, $0x1;
	_ =	strace $0x80000046;
	[dreg:$0x1] =	wrdreg $0xFFFFFFFF  }
0xa7: {  	s28 =	simm.s32 $_size_execute0_lowered;
	s3 =	sadd.s32 s3, s5;
	[dreg:$0x0] =	wrdreg $0x0  }
0xa8: {  	s5 =	sshll.u32 s28, $0x1;
	[dreg:$0x2] =	wrdreg s3  }
0xa9: {  	[dreg:$0x3] =	wrdreg s5  }
0xaa: {  	[dreg:$0x4] =	wrdreg $0xC0  }
0xab: {  	_ =	task [dreg:s7], $0x5FFFF  }
0xac: {  	[dreg:$0x1] =	wrdreg $0xFFFFFFFF  }
0xad: {  	[dreg:$0x0] =	wrdreg $0x60  }
0xae: {  	[dreg:$0x2] =	wrdreg s24  }
0xaf: {  	[dreg:$0x3] =	wrdreg s2  }
0xb0: {  	[dreg:$0x4] =	wrdreg $0x9  }
0xb1: {  	_ =	task.clear_ibuf [dreg:s7], $0x5FFFF;
	_ =	strace $0x90000046  }
0xb2: {  	s29 =	simm.s32 $0x9;
	_ =	strace $0x80000048  }
0xb3: {  	_ =	swait.ge [sflag:s29], $0x1  }
0xb4: {  	[sflag:s29] =	ssyncadd.s32 $0xFFFFFFFF  }
0xb5: {  	_ =	strace $0x90000048  }
0xb6: {  	_ =	sfence  }
0xb7: {  	s30 =	sld [smem:$0x0];
	_ =	sdelay $0x2  }
0xb8: {  	s31 =	sshll.u32 s1, $0xD;
	s1 =	sshrl.u32 s1, $0x2  }
0xb9: {  	s3 =	sand.u32 $0x4000, s31;
	s1 =	sadd.s32 s1, s30  }
0xba: {  	s0 =	sor.u32 s3, s0;
	s1 =	sshll.u32 s1, $0x11  }
0xbb: {  	s0 =	sor.u32 s1, s0  }
0xbc: {  	s0 =	sadd.s32 $0x8F2B, s0  }
0xbd: {  	[sflag:s0] =	ssyncadd.remote.s32 $0x1  }
0xbe: {  	_ =	sfence.sel $0xFFFF  }
0xbf: {  	[dreg:$0x0] =	wrdreg $0xFFFFFFFF;
	(pc) =	sbr.abs _section_cstart, $3  }
0xc0: {  	[dreg:$0x1] =	wrdreg $0xFFFFFFFF  }
0xc1: {  	_ =	task.clear_ibuf [dreg:s7], $0x2FFFF;
	_ =	strace $0x9FFFFFFF  }
0xc2: {  	(tm) =	ssettm $0x7FFFFFFF  }
0xc3: {  	_ =	shalt  }
tec
execute0_lowered:
.L_overlay_start_1:
0x0: {  	(tag) =	ssettag $0x1  }
0x1: {  	s0 =	srdreg.scid  }
0x2: {  	s2 =	stileid.u32;
	s1 =	rddreg [dreg:$0x0]  }
0x3: {  	s10 =	simm.s32 $0x5;
	s11 =	simm.s32 $0x64;
	s12 =	simm.s32 $0x1A00  }
0x4: {  	s16 =	simm.s32 $0x4C00;
	s18 =	simm.s32 $0x6500;
	s19 =	simm.s32 $0x1A0  }
0x5: {  	s20 =	simm.s32 $0x7E00;
	s21 =	simm.s32 $0x208;
	s22 =	simm.s32 $0x9700  }
0x6: {  	s23 =	simm.s32 $0x1;
	s24 =	simm.s32 $0xB000;
	s25 =	simm.s32 $0xC900  }
0x7: {  	s26 =	simm.s32 $0x2;
	s28 =	simm.s32 $0x3;
	s29 =	simm.s32 $0x4  }
0x8: {  	s30 =	simm.s32 $0x0;
	s0 =	sand.u32 $0x1, s0;
	s3 =	sshll.u32 s2, $0x1  }
0x9: {  	s2 =	rddreg [dreg:$0x1];
	s5 =	sadd.s32 $0xF43000, s1;
	s6 =	sor.u32 s0, s3  }
0xa: {  	s3 =	simm.s32 $0x0;
	s0 =	ssub.s32 $0x2, s0;
	s4 =	smul.u32 $0x340, s6  }
0xb: {  	[smem:$0x7FF] =	sst s3;
	s8 =	sshrl.u32 s0, $0x1;
	s6 =	sshll.u32 s6, $0x5  }
0xc: {  	_ =	strace $0x80000047;
	s0 =	ssub.s32 s0, s8;
	s7 =	sadd.s32 s4, s1  }
0xd: {  	s4 =	sadd.s32 $0x7400, s1;
	s8 =	smax.u32 s0, $0x1;
	s7 =	sadd.s32 $0xC00, s7  }
.LBB2_1:
0xe: {  	s0 =	simm.s32 $0xE200  }
0xf: {  	[tilespmem:s0], [sflag:$0x5] =	stream.linear.gather [hbm4b:s4+s3], $0x3200, $0x38;
	[tilespmem:$0x11400] =	vst v63  }
0x10: {  	_ =	swait.ge [sflag:s10], $0x3200  }
0x11: {  	[sflag:s10] =	ssyncset.done $0x0  }
0x12: {  	[sflag:s10] =	ssyncadd.s32 $0xFFFFCE00  }
0x13: {  	[tilespmem:s3], [sflag:$0x5] =	stream.linear.gather [hbm4b:s7+s3], $0x1A00, $0x38;
	[tilespmem:$0x11400] =	vst v63  }
0x14: {  	_ =	swait.ge [sflag:s10], $0x1A00  }
0x15: {  	[sflag:s10] =	ssyncset.done $0x0  }
0x16: {  	[sflag:s10] =	ssyncadd.s32 $0xFFFFE600  }
0x17: {  	[tilespmem:s12], [sflag:$0x1] =	stream.indirect.gather [hbm4b:s5+s11], $0x40, s3, s11, $0xb8;
	[tilespmem:$0x11400] =	vst v63  }
0x18: {  	s14 =	simm.s32 $0x68;
	s1 =	simm.s32 $0x3300  }
0x19: {  	[tilespmem:s1], [sflag:$0x1] =	stream.indirect.gather [hbm4b:s5+s11], $0x40, s14, s11, $0xb8;
	[tilespmem:$0x11400] =	vst v63  }
0x1a: {  	s15 =	simm.s32 $0xD0  }
0x1b: {  	[tilespmem:s16], [sflag:$0x2] =	stream.indirect.gather [hbm4b:s5+s11], $0x40, s15, s11, $0xb8;
	[tilespmem:$0x11400] =	vst v63  }
0x1c: {  	s17 =	simm.s32 $0x138  }
0x1d: {  	[tilespmem:s18], [sflag:$0x2] =	stream.indirect.gather [hbm4b:s5+s11], $0x40, s17, s11, $0xb8;
	[tilespmem:$0x11400] =	vst v63  }
0x1e: {  	_ = 	snop  }
0x1f: {  	[tilespmem:s20], [sflag:$0x3] =	stream.indirect.gather [hbm4b:s5+s11], $0x40, s19, s11, $0xb8;
	[tilespmem:$0x11400] =	vst v63  }
0x20: {  	s31 =	simm.s32 $0x0  }
0x21: {  	[tilespmem:s22], [sflag:$0x3] =	stream.indirect.gather [hbm4b:s5+s11], $0x40, s21, s11, $0xb8;
	[tilespmem:$0x11400] =	vst v63  }
.LBB2_2:
0x22: {  	_ =	swait.ge [sflag:s23], $0x1900  }
0x23: {  	[sflag:s23] =	ssyncset.done $0x0  }
0x24: {  	[sflag:s23] =	ssyncadd.s32 $0xFFFFE700  }
0x25: {  	_ =	swait.ge [sflag:s23], $0x1900  }
0x26: {  	[sflag:s23] =	ssyncset.done $0x0  }
0x27: {  	s0 =	simm.s32 $0x0;
	[sflag:s23] =	ssyncadd.s32 $0xFFFFE700  }
0x28: {  	v5 =	vld [tilespmem:s0+$0xE200]  }
0x29: {  	v6 =	vld [tilespmem:s0+$0xE210]  }
0x2a: {  	v1 =	vld [tilespmem:s0+$0xE220]  }
0x2b: {  	v0 =	vld [tilespmem:s0+$0xE230]  }
0x2c: {  	v2 =	vld [tilespmem:s0+$0x1A00]  }
0x2d: {  	v4 =	vld [tilespmem:s0+$0x1A10]  }
0x2e: {  	s1 =	simm.s32 $0x100;
	v3 =	vld [tilespmem:s0+$0x1A20]  }
.LBB2_3:
0x2f: {  	s9 =	sshra.s32 s1, $0x2;
	p0 =	sne.s32 s1, $0xC700;
	v7 =	vld [tilespmem:s0+$0x1A30];
	v8 =	vmov v1  }
0x30: {  	v9 =	vld [tilespmem:s9+$0xE200];
	v10 =	vmov v0  }
0x31: {  	v11 =	vld [tilespmem:s9+$0xE210];
	v2 =	vadd.f32 v5, v2  }
.Ltmp0:
0x32: {  	v1 =	vld [tilespmem:s9+$0xE220];
	v4 =	vadd.f32 v6, v4;
	(pc) =	sbr.rel @p0 .LBB2_3-.Ltmp0, $4  }
0x33: {  	v0 =	vld [tilespmem:s9+$0xE230];
	[tilespmem:s0+$0x1A00] =	vst v2;
	v3 =	vadd.f32 v8, v3  }
0x34: {  	v2 =	vld [tilespmem:s9+$0x1A00];
	[tilespmem:s0+$0x1A10] =	vst v4;
	v7 =	vadd.f32 v10, v7  }
0x35: {  	v4 =	vld [tilespmem:s9+$0x1A10];
	[tilespmem:s0+$0x1A20] =	vst v3;
	v5 =	vmov v9  }
0x36: {  	s1 =	sadd.s32 $0x100, s1;
	v3 =	vld [tilespmem:s9+$0x1A20];
	[tilespmem:s0+$0x1A30] =	vst v7;
	v6 =	vmov v11;
	s0 =	smov.u32 s9  }
0x37: {  	v7 =	vld [tilespmem:s0+$0x1A30];
	_ =	sdelay $0x1  }
0x38: {  	v2 =	vadd.f32 v5, v2  }
0x39: {  	v4 =	vadd.f32 v6, v4  }
0x3a: {  	s1 =	sshllo.u32 s31, $0x2;
	[tilespmem:s0+$0x1A00] =	vst v2;
	v1 =	vadd.f32 v1, v3  }
0x3b: {  	s13 =	smul.u32 $0x340, s1;
	[tilespmem:s0+$0x1A10] =	vst v4;
	v0 =	vadd.f32 v0, v7  }
0x3c: {  	s9 =	sshll.u32 s31, $0x2;
	[tilespmem:s0+$0x1A20] =	vst v1  }
0x3d: {  	s14 =	sadd.s32 s6, s9;
	s13 =	sshra.s32 s13, $0x2;
	[tilespmem:s0+$0x1A30] =	vst v0  }
0x3e: {  	[tilespmem:s24], [sflag:$0x4] =	stream.indirect.gather [hbm4b:s5+s11], $0x40, s13, s11, $0xb8;
	[tilespmem:$0x11400] =	vst v63  }
0x3f: {  	s0 =	sadd.s32 $0x68, s13;
	s13 =	smul.u32 $0x640, s14  }
0x40: {  	[tilespmem:s25], [sflag:$0x4] =	stream.indirect.gather [hbm4b:s5+s11], $0x40, s0, s11, $0xb8;
	[tilespmem:$0x11400] =	vst v63  }
0x41: {  	s17 =	simm.s32 $0x0;
	s15 =	sadd.s32 s2, s13  }
0x42: {  	[hbm4b:s15+s17] =	stream.linear.scatter [tilespmem:s12], [sflag:$0x5], $0x3200, $0x38;
	[tilespmem:$0x11400] =	vst v63  }
0x43: {  	_ =	swait.ge [sflag:s10], $0x3200  }
0x44: {  	[sflag:s10] =	ssyncset.done $0x0  }
0x45: {  	[sflag:s10] =	ssyncadd.s32 $0xFFFFCE00  }
0x46: {  	_ =	swait.ge [sflag:s26], $0x1900  }
0x47: {  	[sflag:s26] =	ssyncset.done $0x0  }
0x48: {  	[sflag:s26] =	ssyncadd.s32 $0xFFFFE700  }
0x49: {  	_ =	swait.ge [sflag:s26], $0x1900  }
0x4a: {  	[sflag:s26] =	ssyncset.done $0x0  }
0x4b: {  	s13 =	simm.s32 $0x0;
	[sflag:s26] =	ssyncadd.s32 $0xFFFFE700  }
0x4c: {  	v5 =	vld [tilespmem:s13+$0xE200]  }
0x4d: {  	v6 =	vld [tilespmem:s13+$0xE210]  }
0x4e: {  	v1 =	vld [tilespmem:s13+$0xE220]  }
0x4f: {  	v0 =	vld [tilespmem:s13+$0xE230]  }
0x50: {  	v3 =	vld [tilespmem:s13+$0x4C00]  }
0x51: {  	v4 =	vld [tilespmem:s13+$0x4C10]  }
0x52: {  	s0 =	simm.s32 $0x100;
	v2 =	vld [tilespmem:s13+$0x4C20]  }
.LBB2_5:
0x53: {  	s14 =	sshra.s32 s0, $0x2;
	p0 =	sne.s32 s0, $0xC700;
	v7 =	vld [tilespmem:s13+$0x4C30];
	v8 =	vmov v1  }
0x54: {  	v9 =	vld [tilespmem:s14+$0xE200];
	v10 =	vmov v0  }
0x55: {  	v11 =	vld [tilespmem:s14+$0xE210];
	v3 =	vadd.f32 v5, v3  }
.Ltmp1:
0x56: {  	v1 =	vld [tilespmem:s14+$0xE220];
	v4 =	vadd.f32 v6, v4;
	(pc) =	sbr.rel @p0 .LBB2_5-.Ltmp1, $4  }
0x57: {  	v0 =	vld [tilespmem:s14+$0xE230];
	[tilespmem:s13+$0x4C00] =	vst v3;
	v2 =	vadd.f32 v8, v2  }
0x58: {  	v3 =	vld [tilespmem:s14+$0x4C00];
	[tilespmem:s13+$0x4C10] =	vst v4;
	v7 =	vadd.f32 v10, v7  }
0x59: {  	v4 =	vld [tilespmem:s14+$0x4C10];
	[tilespmem:s13+$0x4C20] =	vst v2;
	v5 =	vmov v9  }
0x5a: {  	s0 =	sadd.s32 $0x100, s0;
	v2 =	vld [tilespmem:s14+$0x4C20];
	[tilespmem:s13+$0x4C30] =	vst v7;
	v6 =	vmov v11;
	s13 =	smov.u32 s14  }
0x5b: {  	v7 =	vld [tilespmem:s13+$0x4C30];
	_ =	sdelay $0x1  }
0x5c: {  	v3 =	vadd.f32 v5, v3  }
0x5d: {  	p0 =	seq.s32 s31, $0x7;
	v4 =	vadd.f32 v6, v4  }
0x5e: {  	s0 =	smul.u32 @!p0 $0xD00, s31;
	[tilespmem:s13+$0x4C00] =	vst v3;
	v1 =	vadd.f32 v1, v2  }
0x5f: {  	[tilespmem:s13+$0x4C10] =	vst v4;
	v0 =	vadd.f32 v0, v7  }
0x60: {  	s14 =	sor.u32 $0x1, s9;
	s0 =	sshra.s32 @!p0 s0, $0x2;
	[tilespmem:s13+$0x4C20] =	vst v1  }
0x61: {  	s15 =	simm.s32 @!p0 $0x64;
	s17 =	simm.s32 @!p0 $0x1A00;
	[tilespmem:s13+$0x4C30] =	vst v0;
	s13 =	sadd.s32 @!p0 $0x340, s0  }
0x62: {  	[tilespmem:s17], [sflag:$0x1] =	stream.indirect.gather @!p0 [hbm4b:s5+s15], $0x40, s13, s15, $0xb8;
	[tilespmem:$0x11400] =	vst v63  }
0x63: {  	s13 =	sadd.s32 s6, s14  }
0x64: {  	s14 =	sadd.s32 @!p0 $0x3A8, s0;
	s17 =	simm.s32 @!p0 $0x3300;
	s13 =	smul.u32 $0x640, s13  }
0x65: {  	[tilespmem:s17], [sflag:$0x1] =	stream.indirect.gather @!p0 [hbm4b:s5+s15], $0x40, s14, s15, $0xb8;
	[tilespmem:$0x11400] =	vst v63  }
0x66: {  	s17 =	simm.s32 $0x0;
	s13 =	sadd.s32 s2, s13  }
0x67: {  	[hbm4b:s13+s17] =	stream.linear.scatter [tilespmem:s16], [sflag:$0x5], $0x3200, $0x38;
	[tilespmem:$0x11400] =	vst v63  }
0x68: {  	_ =	swait.ge [sflag:s10], $0x3200  }
0x69: {  	[sflag:s10] =	ssyncset.done $0x0  }
0x6a: {  	[sflag:s10] =	ssyncadd.s32 $0xFFFFCE00  }
0x6b: {  	_ =	swait.ge [sflag:s28], $0x1900  }
0x6c: {  	[sflag:s28] =	ssyncset.done $0x0  }
0x6d: {  	[sflag:s28] =	ssyncadd.s32 $0xFFFFE700  }
0x6e: {  	_ =	swait.ge [sflag:s28], $0x1900  }
0x6f: {  	[sflag:s28] =	ssyncset.done $0x0  }
0x70: {  	s13 =	simm.s32 $0x0;
	[sflag:s28] =	ssyncadd.s32 $0xFFFFE700  }
0x71: {  	v5 =	vld [tilespmem:s13+$0xE200]  }
0x72: {  	v6 =	vld [tilespmem:s13+$0xE210]  }
0x73: {  	v1 =	vld [tilespmem:s13+$0xE220]  }
0x74: {  	v0 =	vld [tilespmem:s13+$0xE230]  }
0x75: {  	v2 =	vld [tilespmem:s13+$0x7E00]  }
0x76: {  	v4 =	vld [tilespmem:s13+$0x7E10]  }
0x77: {  	s14 =	simm.s32 $0x100;
	v3 =	vld [tilespmem:s13+$0x7E20]  }
.LBB2_7:
0x78: {  	s15 =	sshra.s32 s14, $0x2;
	p1 =	sne.s32 s14, $0xC700;
	v7 =	vld [tilespmem:s13+$0x7E30];
	v8 =	vmov v1  }
0x79: {  	v9 =	vld [tilespmem:s15+$0xE200];
	v10 =	vmov v0  }
0x7a: {  	v11 =	vld [tilespmem:s15+$0xE210];
	v2 =	vadd.f32 v5, v2  }
.Ltmp2:
0x7b: {  	v1 =	vld [tilespmem:s15+$0xE220];
	v4 =	vadd.f32 v6, v4;
	(pc) =	sbr.rel @p1 .LBB2_7-.Ltmp2, $4  }
0x7c: {  	v0 =	vld [tilespmem:s15+$0xE230];
	[tilespmem:s13+$0x7E00] =	vst v2;
	v3 =	vadd.f32 v8, v3  }
0x7d: {  	v2 =	vld [tilespmem:s15+$0x7E00];
	[tilespmem:s13+$0x7E10] =	vst v4;
	v7 =	vadd.f32 v10, v7  }
0x7e: {  	v4 =	vld [tilespmem:s15+$0x7E10];
	[tilespmem:s13+$0x7E20] =	vst v3;
	v5 =	vmov v9  }
0x7f: {  	s14 =	sadd.s32 $0x100, s14;
	v3 =	vld [tilespmem:s15+$0x7E20];
	[tilespmem:s13+$0x7E30] =	vst v7;
	v6 =	vmov v11;
	s13 =	smov.u32 s15  }
0x80: {  	v7 =	vld [tilespmem:s13+$0x7E30];
	_ =	sdelay $0x1  }
0x81: {  	v2 =	vadd.f32 v5, v2  }
0x82: {  	v4 =	vadd.f32 v6, v4  }
0x83: {  	[tilespmem:s13+$0x7E00] =	vst v2;
	v1 =	vadd.f32 v1, v3  }
0x84: {  	[tilespmem:s13+$0x7E10] =	vst v4;
	v0 =	vadd.f32 v0, v7  }
0x85: {  	s9 =	sor.u32 $0x2, s9;
	s14 =	simm.s32 @!p0 $0x64;
	[tilespmem:s13+$0x7E20] =	vst v1  }
0x86: {  	s15 =	simm.s32 @!p0 $0x4C00;
	s9 =	sadd.s32 s6, s9;
	[tilespmem:s13+$0x7E30] =	vst v0;
	s13 =	sadd.s32 @!p0 $0x410, s0  }
0x87: {  	[tilespmem:s15], [sflag:$0x2] =	stream.indirect.gather @!p0 [hbm4b:s5+s14], $0x40, s13, s14, $0xb8;
	[tilespmem:$0x11400] =	vst v63  }
0x88: {  	s9 =	smul.u32 $0x640, s9;
	s13 =	sadd.s32 @!p0 $0x478, s0;
	s15 =	simm.s32 @!p0 $0x6500  }
0x89: {  	[tilespmem:s15], [sflag:$0x2] =	stream.indirect.gather @!p0 [hbm4b:s5+s14], $0x40, s13, s14, $0xb8;
	[tilespmem:$0x11400] =	vst v63  }
0x8a: {  	s17 =	simm.s32 $0x0;
	s9 =	sadd.s32 s2, s9  }
0x8b: {  	[hbm4b:s9+s17] =	stream.linear.scatter [tilespmem:s20], [sflag:$0x5], $0x3200, $0x38;
	[tilespmem:$0x11400] =	vst v63  }
0x8c: {  	_ =	swait.ge [sflag:s10], $0x3200  }
0x8d: {  	[sflag:s10] =	ssyncset.done $0x0  }
0x8e: {  	[sflag:s10] =	ssyncadd.s32 $0xFFFFCE00  }
0x8f: {  	_ =	swait.ge [sflag:s29], $0x1900  }
0x90: {  	[sflag:s29] =	ssyncset.done $0x0  }
0x91: {  	[sflag:s29] =	ssyncadd.s32 $0xFFFFE700  }
0x92: {  	_ =	swait.ge [sflag:s29], $0x1900  }
0x93: {  	[sflag:s29] =	ssyncset.done $0x0  }
0x94: {  	s9 =	simm.s32 $0x0;
	[sflag:s29] =	ssyncadd.s32 $0xFFFFE700  }
0x95: {  	v5 =	vld [tilespmem:s9+$0xE200]  }
0x96: {  	v6 =	vld [tilespmem:s9+$0xE210]  }
0x97: {  	v1 =	vld [tilespmem:s9+$0xE220]  }
0x98: {  	v0 =	vld [tilespmem:s9+$0xE230]  }
0x99: {  	v2 =	vld [tilespmem:s9+$0xB000]  }
0x9a: {  	v4 =	vld [tilespmem:s9+$0xB010]  }
0x9b: {  	s13 =	simm.s32 $0x100;
	v3 =	vld [tilespmem:s9+$0xB020]  }
.LBB2_9:
0x9c: {  	s14 =	sshra.s32 s13, $0x2;
	p1 =	sne.s32 s13, $0xC700;
	v7 =	vld [tilespmem:s9+$0xB030];
	v8 =	vmov v1  }
0x9d: {  	v9 =	vld [tilespmem:s14+$0xE200];
	v10 =	vmov v0  }
0x9e: {  	v11 =	vld [tilespmem:s14+$0xE210];
	v2 =	vadd.f32 v5, v2  }
.Ltmp3:
0x9f: {  	v1 =	vld [tilespmem:s14+$0xE220];
	v4 =	vadd.f32 v6, v4;
	(pc) =	sbr.rel @p1 .LBB2_9-.Ltmp3, $4  }
0xa0: {  	v0 =	vld [tilespmem:s14+$0xE230];
	[tilespmem:s9+$0xB000] =	vst v2;
	v3 =	vadd.f32 v8, v3  }
0xa1: {  	v2 =	vld [tilespmem:s14+$0xB000];
	[tilespmem:s9+$0xB010] =	vst v4;
	v7 =	vadd.f32 v10, v7  }
0xa2: {  	v4 =	vld [tilespmem:s14+$0xB010];
	[tilespmem:s9+$0xB020] =	vst v3;
	v5 =	vmov v9  }
0xa3: {  	s13 =	sadd.s32 $0x100, s13;
	v3 =	vld [tilespmem:s14+$0xB020];
	[tilespmem:s9+$0xB030] =	vst v7;
	v6 =	vmov v11;
	s9 =	smov.u32 s14  }
0xa4: {  	v7 =	vld [tilespmem:s9+$0xB030];
	_ =	sdelay $0x1  }
0xa5: {  	v2 =	vadd.f32 v5, v2  }
0xa6: {  	v4 =	vadd.f32 v6, v4  }
0xa7: {  	[tilespmem:s9+$0xB000] =	vst v2;
	v1 =	vadd.f32 v1, v3  }
0xa8: {  	[tilespmem:s9+$0xB010] =	vst v4;
	v0 =	vadd.f32 v0, v7  }
0xa9: {  	s13 =	simm.s32 @!p0 $0x64;
	s14 =	simm.s32 @!p0 $0x7E00;
	[tilespmem:s9+$0xB020] =	vst v1  }
0xaa: {  	s1 =	sadd.s32 s6, s1;
	s31 =	sadd.s32 $0x1, s31;
	[tilespmem:s9+$0xB030] =	vst v0;
	s9 =	sadd.s32 @!p0 $0x4E0, s0  }
0xab: {  	[tilespmem:s14], [sflag:$0x3] =	stream.indirect.gather @!p0 [hbm4b:s5+s13], $0x40, s9, s13, $0xb8;
	[tilespmem:$0x11400] =	vst v63  }
0xac: {  	s1 =	smul.u32 $0x640, s1;
	s0 =	sadd.s32 @!p0 $0x548, s0;
	s9 =	simm.s32 @!p0 $0x9700  }
0xad: {  	[tilespmem:s9], [sflag:$0x3] =	stream.indirect.gather @!p0 [hbm4b:s5+s13], $0x40, s0, s13, $0xb8;
	[tilespmem:$0x11400] =	vst v63  }
0xae: {  	p0 =	sne.s32 s31, $0x8  }
.Ltmp4:
0xaf: {  	s17 =	sadd.s32 s2, s1;
	(pc) =	sbr.rel @p0 .LBB2_2-.Ltmp4, $4  }
0xb0: {  	[hbm4b:s17+s3] =	stream.linear.scatter [tilespmem:s24], [sflag:$0x5], $0x3200, $0x38;
	[tilespmem:$0x11400] =	vst v63  }
0xb1: {  	_ =	swait.ge [sflag:s10], $0x3200  }
0xb2: {  	[sflag:s10] =	ssyncset.done $0x0  }
0xb3: {  	[sflag:s10] =	ssyncadd.s32 $0xFFFFCE00  }
0xb4: {  	s30 =	sadd.s32 $0x1, s30  }
0xb5: {  	p0 =	sne.s32 s30, s8  }
.Ltmp5:
0xb6: {  	_ = 	snop;
	(pc) =	sbr.rel @p0 .LBB2_1-.Ltmp5, $1  }
0xb7: {  	_ =	sdelay $0x3  }
0xb8: {  	_ =	sfence.sel $0x180000  }
0xb9: {  	[bflag:$0x0] =	sbarrier.arrive $0xFFFF  }
0xba: {  	_ =	strace $0x90000047  }
0xbb: {  	s0 =	stileid.u32;
	[bflag:$0x2] =	sbarrier.arrive $0xFFFF  }
0xbc: {  	p0 =	sne.s32 s0, $0x0;
	s0 =	rddreg [dreg:$0x2]  }
0xbd: {  	s0 =	sadd.s32 @!p0 $0x100000, s0  }
0xbe: {  	[sflag:s0] =	ssyncadd.tile.s32 @!p0 $0x1;
	_ =	shalt  }
.Lfunc_end2:
_tile_overlayer_lowered:
.L_overlay_start_2:
0xbf: {  	(tag) =	ssettag $0x2  }
0xc0: {  	s0 =	rddreg [dreg:$0x0];
	s2 =	stileid.u32  }
0xc1: {  	s1 =	rddreg [dreg:$0x1];
	p0 =	sne.s32 s2, $0x0  }
0xc2: {  	s3 =	rddreg [dreg:$0x2];
	[bflag:$0x3] =	sbarrier.arrive $0xFFFF;
	s2 =	simm.s32 @!p0 $0x1C05  }
0xc3: {  	[timem:s3], [sflag:s2] =	dma.local @!p0 [hbm:s0], s1  }
0xc4: {  	s0 =	simm.s32 @!p0 $0x5  }
0xc5: {  	_ =	swait.ge @!p0 [sflag:s0], s1  }
0xc6: {  	s1 =	ssub.s32 @!p0 $0x0, s1;
	[sflag:s0] =	ssyncset.done @!p0 $0x0  }
0xc7: {  	[sflag:s0] =	ssyncadd.s32 @!p0 s1  }
0xc8: {  	[bflag:$0x3] =	sbarrier.arrive $0xFFFF  }
0xc9: {  	_ =	shalt  }

// kernel: sparse-core-data-format-call.cloned.1.call-start
scs
called_computation_lowered:
.L_overlay_start_0:
0x0: {  	s2 =	sld [smem:$0x3FD9]  }
0x1: {  	s3 =	sld [smem:$0x3FFE];
	_ =	sdelay $0x1  }
0x2: {  	s1 =	srdreg.scid  }
0x3: {  	s0 =	sand.u32 $0x1, s1  }
0x4: {  	s18 =	sshll.u32 s0, $0xA;
	s2 =	sadd.s32 s3, s2  }
0x5: {  	s2 =	sadd.s32 s2, s18  }
0x6: {  	[smem:$0x3FC6] =	sst s2  }
0x7: {  	_ = 	snop  }
0x8: {  	s2 =	sld [smem:$0x3FD0];
	(tm) =	ssettm $0x1  }
0x9: {  	s19 =	sld [smem:$0x3FFB];
	_ =	sdelay $0x3  }
0xa: {  	_ =	strace s19  }
0xb: {  	s3 =	sld [smem:$0x3FFC];
	_ =	sdelay $0x3  }
0xc: {  	_ =	strace s3  }
0xd: {  	s3 =	sld [smem:$0x3FFD];
	_ =	sdelay $0x3  }
0xe: {  	_ =	strace s3  }
0xf: {  	_ =	strace $0x8FFFFFFF  }
0x10: {  	s20 =	sld [smem:$0x3FDB];
	_ =	sdelay $0x1  }
0x11: {  	s4 =	simm.s32 $_scs_section_size  }
0x12: {  	s5 =	simm.s32 $_size__tile_overlayer_lowered;
	s6 =	simm.s32 $_tile_overlayer_lowered  }
0x13: {  	s23 =	simm.s32 $0x1BFF;
	s22 =	sshll.u32 s6, $0x1;
	s3 =	sadd.s32 s4, s20  }
0x14: {  	s7 =	simm.s32 $0x0;
	s21 =	sshll.u32 s5, $0x1;
	s5 =	sadd.s32 s22, s3  }
0x15: {  	[timem:s7], [sflag:s23] =	dma.local [hbm:s5], s21  }
0x16: {  	_ =	swait.ge [sflag:s23], s21  }
0x17: {  	s4 =	ssub.s32 $0x0, s21;
	[sflag:s23] =	ssyncset.done $0x0  }
0x18: {  	[sflag:s23] =	ssyncadd.s32 s4;
	_ =	sdelay $0x1  }
0x19: {  	s24 =	simm.s32 $0x1B8B  }
0x1a: {  	_ =	swait.ge [sflag:s24], $0x1  }
0x1b: {  	[sflag:s24] =	ssyncset.done $0x0  }
0x1c: {  	s26 =	simm.s32 $0x1B8E;
	s25 =	sld [smem:$0x3FFE];
	[sflag:s24] =	ssyncadd.s32 $0xFFFFFFFF  }
0x1d: {  	s27 =	simm.s32 $execute0_lowered;
	[smem:$0x3FD2] =	sst s26  }
0x1e: {  	s5 =	sshll.u32 s27, $0x1;
	_ =	strace $0x80000049;
	[dreg:$0x1] =	wrdreg $0xFFFFFFFF  }
0x1f: {  	s28 =	simm.s32 $_size_execute0_lowered;
	s3 =	sadd.s32 s3, s5;
	[dreg:$0x0] =	wrdreg $0x0  }
0x20: {  	s5 =	sshll.u32 s28, $0x1;
	[dreg:$0x2] =	wrdreg s3  }
0x21: {  	[dreg:$0x3] =	wrdreg s5  }
0x22: {  	[dreg:$0x4] =	wrdreg $0xC0  }
0x23: {  	_ =	task [dreg:s7], $0x5FFFF  }
0x24: {  	[dreg:$0x1] =	wrdreg $0xFFFFFFFF  }
0x25: {  	[dreg:$0x0] =	wrdreg $0x60  }
0x26: {  	[dreg:$0x2] =	wrdreg s25  }
0x27: {  	[dreg:$0x3] =	wrdreg s2  }
0x28: {  	[dreg:$0x4] =	wrdreg $0x9  }
0x29: {  	_ =	task.clear_ibuf [dreg:s7], $0x5FFFF;
	_ =	strace $0x90000049  }
0x2a: {  	s29 =	simm.s32 $0x9;
	_ =	strace $0x8000004B  }
0x2b: {  	_ =	swait.ge [sflag:s29], $0x1  }
0x2c: {  	[sflag:s29] =	ssyncadd.s32 $0xFFFFFFFF  }
0x2d: {  	_ =	strace $0x9000004B  }
0x2e: {  	_ =	sfence  }
0x2f: {  	s30 =	sld [smem:$0x0];
	_ =	sdelay $0x2  }
0x30: {  	s31 =	sshll.u32 s1, $0xD;
	s1 =	sshrl.u32 s1, $0x2  }
0x31: {  	s3 =	sand.u32 $0x4000, s31;
	s1 =	sadd.s32 s1, s30  }
0x32: {  	s0 =	sor.u32 s3, s0;
	s1 =	sshll.u32 s1, $0x11  }
0x33: {  	s0 =	sor.u32 s1, s0  }
0x34: {  	s0 =	sadd.s32 $0x8F2B, s0  }
0x35: {  	[sflag:s0] =	ssyncadd.remote.s32 $0x1  }
0x36: {  	_ =	sfence.sel $0xFFFF  }
0x37: {  	[dreg:$0x0] =	wrdreg $0xFFFFFFFF;
	(pc) =	sbr.abs _section_cstart, $3  }
0x38: {  	[dreg:$0x1] =	wrdreg $0xFFFFFFFF  }
0x39: {  	_ =	task.clear_ibuf [dreg:s7], $0x2FFFF;
	_ =	strace $0x9FFFFFFF  }
0x3a: {  	(tm) =	ssettm $0x7FFFFFFF  }
0x3b: {  	_ =	shalt  }
tec
execute0_lowered:
.L_overlay_start_1:
0x0: {  	(tag) =	ssettag $0x1  }
0x1: {  	s0 =	stileid.u32;
	s6 =	rddreg [dreg:$0x0]  }
0x2: {  	s2 =	rddreg [dreg:$0x1];
	s5 =	srdreg.scid  }
0x3: {  	s31 =	simm.s32 $0x2;
	s13 =	simm.s32 $0x0;
	s1 =	sshll.u32 s0, $0x7  }
0x4: {  	s14 =	simm.s32 $0x0;
	s12 =	simm.s32 $0x0;
	s3 =	sand.u32 $0x380, s1  }
0x5: {  	s5 =	sshll.u32 s5, $0x4;
	s6 =	sadd.s32 $0xC00, s6;
	s4 =	ssub.s32 $0x400, s3  }
0x6: {  	s1 =	rddreg [dreg:$0x2];
	_ =	strace $0x8000004A;
	s7 =	sand.u32 $0x380, s4  }
0x7: {  	s5 =	sand.u32 $0x10, s5;
	p0 =	sne.s32 s7, $0x0;
	s7 =	simm.s32 $0x1  }
.Ltmp0:
0x8: {  	s8 =	sshrl.u32 s4, $0xA;
	s7 =	simm.s32 @!p0 $0x0;
	(pc) =	sbr.rel .LBB1_1-.Ltmp0, $4  }
0x9: {  	s9 =	sor.u32 s0, s5;
	s4 =	simm.s32 $0x1;
	s30 =	sadd.s32 s7, s8  }
0xa: {  	s11 =	smov.u32 s3;
	[sflag:s4] =	ssyncpa.u1 $0x0;
	s5 =	smul.u32 $0x32, s30  }
0xb: {  	[sflag:s31] =	ssyncpa.u1 $0x0;
	p0 =	por $0x0, $0x0;
	s7 =	sshrl.u32 s9, $0x3  }
0xc: {  	s9 =	simm.s32 $0x2000;
	s10 =	smov.u32 s7;
	s8 =	sor.u32 $0x1, s5  }
.LBB1_4:
0xd: {  	s17 =	sand.u32 $0x1F80, s14;
	s13 =	sshll.u32 s13, $0xD  }
0xe: {  	[tilespmem:s16+$0x810 ss:$0x81] =	vst.msk $0xffff, v2;
	s18 =	sshrl.u32 s14, $0x3;
	s31 =	sand.u32 $0x7, s14;
	s17 =	sadd.s32 s2, s17  }
0xf: {  	[tilespmem:s16+$0x1020 ss:$0x81] =	vst.msk $0xffff, v0;
	s18 =	sand.u32 $0xF, s18;
	s14 =	sshll.u32 s31, $0x12;
	s13 =	sadd.s32 s13, s17  }
0x10: {  	[tilespmem:s16+$0x0 ss:$0x81] =	vst.msk $0xffff, v1;
	s14 =	sor.u32 $0x400, s14;
	s13 =	sadd.s32 s18, s13  }
0x11: {  	[hbm4b:s13+s14] =	stream.strided.scatter [tilespmem:s15], [sflag:$0x2], $0x2000, s9, s14, $0x20;
	[tilespmem:$0x8080] =	vst v63  }
.LBB1_5:
0x12: {  	s15 =	sadd.s32 $0x4, s10  }
0x13: {  	s13 =	sadd.s32 $0x400, s11;
	s17 =	smov.u32 s11;
	p2 =	sgt.s32 s15, $0xC7  }
0x14: {  	s17 =	smov.u32 @p2 s13  }
0x15: {  	s15 =	smov.u32 @p2 s7;
	p2 =	sgt.s32 s17, $0x3FF  }
0x16: {  	s17 =	smov.u32 @p2 s3;
	p2 =	sne.s32 s12, s8  }
.Ltmp1:
0x17: {  	p1 =	slt.u32 s12, $0x2;
	(pc) =	sbr.rel @!p2 .LBB1_6-.Ltmp1, $4  }
0x18: {  	s16 =	simm.s32 @!p1 $0x2  }
0x19: {  	s14 =	smov.u32 s11;
	p0 =	por !p0, !p0;
	_ =	swait.ge @!p1 [sflag:s16], $0x2000  }
0x1a: {  	s13 =	smov.u32 s10;
	[sflag:s16] =	ssyncset.done @!p1 $0x0;
	s10 =	smov.u32 s15  }
0x1b: {  	s12 =	sadd.s32 $0x1, s12;
	[sflag:s16] =	ssyncadd.s32 @!p1 $0xFFFFE000;
	s11 =	smov.u32 s17  }
.LBB1_1:
0x1c: {  	p1 =	sge.u32 s12, s5  }
0x1d: {  	s15 =	sand.u32 @!p1 $0x1FFFFFF, s10  }
0x1e: {  	s16 =	smulhi.u32 @!p1 $0x147AE15, s15;
	_ =	sdelay $0x1  }
0x1f: {  	s16 =	smul.u32 @!p1 $0xC8, s16  }
0x20: {  	s17 =	sxor.u32 @!p1 $0xFFFFFFFF, s12;
	s18 =	smul.u32 @!p1 $0xC80, s11  }
0x21: {  	s31 =	sadd.s32 $0xFFFFFFFF, s12;
	s17 =	sshll.u32 @!p1 s17, $0xD;
	s15 =	ssub.s32 @!p1 s15, s16  }
0x22: {  	s16 =	sand.u32 @!p1 $0x2000, s17;
	s17 =	sadd.s32 @!p1 s6, s18;
	s15 =	sshll.u32 @!p1 s15, $0x4  }
0x23: {  	s18 =	simm.s32 @!p1 $0x6400;
	s15 =	sadd.s32 @!p1 s15, s17;
	s17 =	simm.s32 @!p1 $0x40  }
0x24: {  	[tilespmem:s16], [sflag:$0x1] =	stream.strided.gather @!p1 [hbm4b:s15+s17], $0x2000, s18, s17, $0x38;
	[tilespmem:$0x8080] =	vst v63  }
0x25: {  	p1 =	sge.u32 s31, s5  }
.Ltmp2:
0x26: {  	_ = 	snop;
	(pc) =	sbr.rel @p1 .LBB1_5-.Ltmp2, $1  }
0x27: {  	_ =	sdelay $0x3  }
0x28: {  	s15 =	simm.s32 $0x1  }
0x29: {  	_ =	swait.ge [sflag:s4], $0x2000;
	s15 =	simm.s32 @!p0 $0x0  }
0x2a: {  	[sflag:s4] =	ssyncset.done $0x0;
	s16 =	sshll.u32 s15, $0xD  }
0x2b: {  	[sflag:s4] =	ssyncadd.s32 $0xFFFFE000;
	s19 =	sor.u32 $0x20, s16  }
0x2c: {  	s15 =	smul.u32 $0x8100, s15;
	v3 =	vld [tilespmem:s19+$0x10]  }
0x2d: {  	s30 =	sand.u32 $0x1, s12;
	v2 =	vld [tilespmem:s19+$0xFFFFFFF0]  }
0x2e: {  	s16 =	smul.u32 $0x8100, s30;
	s15 =	sshrl.u32 s15, $0x2;
	v0 =	vld [tilespmem:s19+$0x0]  }
0x2f: {  	v1 =	vld [tilespmem:s19+$0xFFFFFFE0];
	s17 =	sor.u32 $0x4000, s15  }
0x30: {  	s31 =	sshrl.u32 s16, $0x2;
	s16 =	sadd.s32 $0x0, s17  }
0x31: {  	s18 =	simm.s32 $0x4;
	s19 =	sadd.s32 $0x40, s19;
	s15 =	sor.u32 $0x4000, s31;
	[tilespmem:s16+$0x1830 ss:$0x81] =	vst.msk $0xffff, v3  }
.LBB1_3:
0x32: {  	v3 =	vld [tilespmem:s19+$0x10];
	p1 =	sne.s32 s18, $0x1FC;
	[tilespmem:s16+$0x810 ss:$0x81] =	vst.msk $0xffff, v2;
	s20 =	smov.u32 s18;
	s18 =	sadd.s32 $0x4, s18  }
.Ltmp3:
0x33: {  	v2 =	vld [tilespmem:s19+$0xFFFFFFF0];
	[tilespmem:s16+$0x1020 ss:$0x81] =	vst.msk $0xffff, v0;
	(pc) =	sbr.rel @p1 .LBB1_3-.Ltmp3, $4  }
0x34: {  	v0 =	vld [tilespmem:s19+$0x0];
	[tilespmem:s16+$0x0 ss:$0x81] =	vst.msk $0xffff, v1  }
0x35: {  	s16 =	sshra.s32 s20, $0x2;
	v1 =	vld [tilespmem:s19+$0xFFFFFFE0]  }
0x36: {  	s16 =	sadd.s32 s16, s17  }
0x37: {  	s19 =	sadd.s32 $0x40, s19;
	[tilespmem:s16+$0x1830 ss:$0x81] =	vst.msk $0xffff, v3  }
.Ltmp4:
0x38: {  	_ = 	snop;
	(pc) =	sbr.rel .LBB1_4-.Ltmp4, $1  }
0x39: {  	_ =	sdelay $0x3  }
.LBB1_6:
0x3a: {  	_ =	sfence.sel $0x180000  }
0x3b: {  	s2 =	simm.s32 $0x1;
	[bflag:$0x0] =	sbarrier.arrive $0xFFFF  }
0x3c: {  	s31 =	simm.s32 $0x2;
	[sflag:s2] =	ssyncpa.u1 $0x1  }
0x3d: {  	[sflag:s31] =	ssyncpa.u1 $0x1  }
0x3e: {  	p0 =	sne.s32 s0, $0x0;
	_ =	strace $0x9000004A  }
0x3f: {  	s0 =	sadd.s32 @!p0 $0x100000, s1;
	[bflag:$0x2] =	sbarrier.arrive $0xFFFF  }
0x40: {  	[sflag:s0] =	ssyncadd.tile.s32 @!p0 $0x1;
	_ =	shalt  }
.Lfunc_end1:
_tile_overlayer_lowered:
.L_overlay_start_2:
0x41: {  	(tag) =	ssettag $0x2  }
0x42: {  	s0 =	rddreg [dreg:$0x0];
	s2 =	stileid.u32  }
0x43: {  	s1 =	rddreg [dreg:$0x1];
	p0 =	sne.s32 s2, $0x0  }
0x44: {  	s3 =	rddreg [dreg:$0x2];
	[bflag:$0x3] =	sbarrier.arrive $0xFFFF;
	s2 =	simm.s32 @!p0 $0x1C01  }
0x45: {  	[timem:s3], [sflag:s2] =	dma.local @!p0 [hbm:s0], s1  }
0x46: {  	s0 =	simm.s32 @!p0 $0x1  }
0x47: {  	_ =	swait.ge @!p0 [sflag:s0], s1  }
0x48: {  	s1 =	ssub.s32 @!p0 $0x0, s1;
	[sflag:s0] =	ssyncset.done @!p0 $0x0  }
0x49: {  	[sflag:s0] =	ssyncadd.s32 @!p0 s1  }
0x4a: {  	[bflag:$0x3] =	sbarrier.arrive $0xFFFF  }
0x4b: {  	_ =	shalt  }

</sc_bundles>
